<compile_context>
chip_gen: v7x
topology: tpu7x:2x2x1
jax: 0.10.2.dev20260603
libtpu: 0.0.44.dev20260713+nightly
codegen_flags: <defaults>
</compile_context>

<pallas_src>
import functools

import jax
import jax.numpy as jnp
from jax import lax
from jax.experimental import pallas as pl
from jax.experimental.pallas import tpu as pltpu
from jax.experimental.pallas import tpu_sc as plsc

N = 10000
E = 160000
D = 256
DH = 128
NC = 2
NS = 16
NW = NC * NS
CH = 128
NCHG = E // CH
NCHT = (NCHG // NS) & ~1
NEXTRA = NCHG - NCHT * NS
RPT = 640
NP = NS * RPT


def _sc_aggregate(x2, packed, z2d, z1d):
    mesh = plsc.VectorSubcoreMesh(core_axis_name="c", subcore_axis_name="s")

    @functools.partial(
        pl.kernel,
        out_type=(
            jax.ShapeDtypeStruct((NC, NP, DH), jnp.float32),
            jax.ShapeDtypeStruct((NW * NP,), jnp.float32),
        ),
        mesh=mesh,
        compiler_params=pltpu.CompilerParams(needs_layout_passes=False),
        scratch_types=[
            pltpu.VMEM((2, 2, CH), jnp.int32),
            pltpu.VMEM((2, CH, DH), jnp.float32),
            pltpu.VMEM((NP,), jnp.float32),
            pltpu.VMEM_SHARED((NP, DH), jnp.float32),
            pltpu.SemaphoreType.DMA,
            pltpu.SemaphoreType.DMA,
        ],
    )
    def k(x2_hbm, packed_hbm, z2d_hbm, z1d_hbm, out_hbm, deg_hbm,
          idx2, rows, degl, acc, gsem0, gsem1):
        cid = lax.axis_index("c")
        sid = lax.axis_index("s")
        wid = cid * NS + sid

        r0 = sid * RPT
        pltpu.sync_copy(z2d_hbm, acc.at[pl.ds(r0, RPT)])
        pltpu.sync_copy(z1d_hbm, degl)
        plsc.subcore_barrier()

        ones = jnp.full((16,), 1.0, dtype=jnp.float32)
        gsems = (gsem0, gsem1)

        def start_gather(j, b):
            c = jnp.minimum(j, NCHT - 1) * NS + sid
            pltpu.sync_copy(packed_hbm.at[cid, c], idx2.at[b])
            pltpu.async_copy(x2_hbm.at[idx2.at[b, 0]], rows.at[b], gsems[b])

        def wait_gather(b):
            pltpu.make_async_copy(x2_hbm.at[idx2.at[b, 0]], rows.at[b],
                                  gsems[b]).wait()

        def update_deg(b):
            for i in range(CH // 16):
                plsc.addupdate_scatter(degl, [idx2[b, 1, pl.ds(i * 16, 16)]],
                                       ones)

        def consume(b):
            pltpu.sync_copy(rows.at[b], acc.at[idx2.at[b, 1]], add=True)

        start_gather(0, 0)

        def pair(jj, carry):
            j0 = 2 * jj
            start_gather(j0 + 1, 1)
            update_deg(0)
            wait_gather(0)
            consume(0)
            start_gather(j0 + 2, 0)
            update_deg(1)
            wait_gather(1)
            consume(1)
            return carry

        lax.fori_loop(0, NCHT // 2, pair, 0, unroll=False)
        wait_gather(0)

        @pl.when(sid < NEXTRA)
        def _():
            c = NCHT * NS + sid
            pltpu.sync_copy(packed_hbm.at[cid, c], idx2.at[0])
            pltpu.async_copy(x2_hbm.at[idx2.at[0, 0]], rows.at[0],
                             gsem0).wait()
            update_deg(0)
            consume(0)

        plsc.subcore_barrier()
        pltpu.sync_copy(acc.at[pl.ds(r0, RPT)], out_hbm.at[cid, pl.ds(r0, RPT)])
        pltpu.sync_copy(degl, deg_hbm.at[pl.ds(wid * NP, NP)])

    return k(x2, packed, z2d, z1d)


def _tc_finish(x, wst, wnt, summed, degp):
    BR = 1280

    def body(x_ref, wst_ref, wnt_ref, s_ref, degp_ref, o_ref):
        deg = jnp.sum(degp_ref[...], axis=1, keepdims=True) * 0.5
        scale = jnp.maximum(deg, 1.0)
        keep = deg > 0.0
        m0 = jnp.where(keep, s_ref[0] / scale, 0.0)
        m1 = jnp.where(keep, s_ref[1] / scale, 0.0)
        o_ref[...] = (
            jnp.dot(x_ref[...], wst_ref[...], preferred_element_type=jnp.float32)
            + jnp.dot(m0, wnt_ref[:DH, :], preferred_element_type=jnp.float32)
            + jnp.dot(m1, wnt_ref[DH:, :], preferred_element_type=jnp.float32)
        )

    return pl.pallas_call(
        body,
        grid=(pl.cdiv(N, BR),),
        in_specs=[
            pl.BlockSpec((BR, D), lambda i: (i, 0)),
            pl.BlockSpec((D, D), lambda i: (0, 0)),
            pl.BlockSpec((D, D), lambda i: (0, 0)),
            pl.BlockSpec((NC, BR, DH), lambda i: (0, i, 0)),
            pl.BlockSpec((BR, NW), lambda i: (i, 0)),
        ],
        out_specs=pl.BlockSpec((BR, D), lambda i: (i, 0)),
        out_shape=jax.ShapeDtypeStruct((N, D), jnp.float32),
    )(x, wst, wnt, summed, degp)


def kernel(x, edge_index, W_self, W_neigh):
    ei = edge_index.astype(jnp.int32)
    src2 = ei[0] * 2
    dst = ei[1]
    packed = jnp.stack(
        [jnp.stack([src2, dst]), jnp.stack([src2 + 1, dst])]
    ).reshape(NC, 2, NCHG, CH).transpose(0, 2, 1, 3)
    x2 = x.reshape(NC * N, DH)
    z2d = jnp.zeros((RPT, DH), jnp.float32)
    z1d = jnp.zeros((NP,), jnp.float32)
    summed, degp = _sc_aggregate(x2, packed, z2d, z1d)
    degp2 = degp.reshape(NW, NP).T
    return _tc_finish(x, W_self.T, W_neigh.T, summed, degp2)

# --- scband reference (transcript-rebuilt; emitter-appended) ---
"""Pipeline reference for scband-sageconv-38543036514867 (READ-ONLY COPY).

The authoritative reference and input builder live on the scoring server;
editing this copy changes nothing except your own understanding.
"""

import jax, jax.numpy as jnp
import numpy as np

N_NODES = 10000
N_EDGES = 160000
D_IN = 256
D_OUT = 256


def setup_inputs(seed: int = 0) -> dict:
    key = jax.random.key(seed)
    k1, k2, k3, k4 = jax.random.split(key, 4)
    x = jax.random.normal(k1, (N_NODES, D_IN), dtype=jnp.float32)
    edge_index = jax.random.randint(k2, (2, N_EDGES), 0, N_NODES, dtype=jnp.int64)
    # xavier-uniform-ish init for the two linear layers (no bias)
    gain = float(np.sqrt(2.0))  # calculate_gain('relu')
    bound_self = gain * np.sqrt(6.0 / (D_IN + D_OUT))
    bound_neigh = gain * np.sqrt(6.0 / (D_IN + D_OUT))
    W_self = jax.random.uniform(k3, (D_OUT, D_IN), minval=-bound_self, maxval=bound_self, dtype=jnp.float32)
    W_neigh = jax.random.uniform(k4, (D_OUT, D_IN), minval=-bound_neigh, maxval=bound_neigh, dtype=jnp.float32)
    return {"x": x, "edge_index": edge_index, "W_self": W_self, "W_neigh": W_neigh}


def reference(x, edge_index, W_self, W_neigh):
    # SAGEConv with aggregator_type='mean', bias=False
    src = edge_index[0]
    dst = edge_index[1]
    n = x.shape[0]
    # message passing: copy_src('h','m') then fn.mean('m','neigh')
    msgs = jnp.take(x, src, axis=0)                      # gather [E, D_IN]
    summed = jax.ops.segment_sum(msgs, dst, num_segments=n)  # scatter-add [N, D_IN]
    deg = jax.ops.segment_sum(jnp.ones((msgs.shape[0],), dtype=x.dtype), dst, num_segments=n)
    # DGL mean over empty mailbox yields 0 for isolated nodes
    h_neigh_mean = jnp.where(deg[:, None] > 0, summed / jnp.maximum(deg, 1.0)[:, None], 0.0)
    h_neigh = h_neigh_mean @ W_neigh.T
    h_self = x @ W_self.T
    rst = h_self + h_neigh
    return rst

if __name__ == "__main__":
    import jax
    _d = setup_inputs()
    print(jax.jit(kernel)(*tuple(_d.values())))

</pallas_src>

<mosaic_0001>
#map = affine_map<(d0, d1) -> (0, 0)>
#map1 = affine_map<(d0, d1) -> (0, 0, 0, 0)>
#map2 = affine_map<(d0, d1) -> (0)>
#map3 = affine_map<(d0, d1) -> (0, 0, 0)>
module attributes {stable_mosaic.version = 14 : i64} {
  func.func @k(%arg0: i32, %arg1: i32, %arg2: memref<20000x128xf32, #tpu.memory_space<hbm>>, %arg3: memref<2x1250x2x128xi32, #tpu.memory_space<hbm>>, %arg4: memref<640x128xf32, #tpu.memory_space<hbm>>, %arg5: memref<10240xf32, #tpu.memory_space<hbm>>, %arg6: memref<2x10240x128xf32, #tpu.memory_space<hbm>>, %arg7: memref<327680xf32, #tpu.memory_space<hbm>>, %arg8: memref<2x2x128xi32, #tpu.memory_space<vmem>>, %arg9: memref<2x128x128xf32, #tpu.memory_space<vmem>>, %arg10: memref<10240xf32, #tpu.memory_space<vmem>>, %arg11: memref<10240x128xf32, #tpu.memory_space<vmem_shared>>, %arg12: memref<!tpu.dma_semaphore, #tpu.memory_space<semaphore_mem>>, %arg13: memref<!tpu.dma_semaphore, #tpu.memory_space<semaphore_mem>>) attributes {dimension_semantics = [#tpu.dimension_semantics<core_parallel>, #tpu.dimension_semantics<subcore_parallel>], iteration_bounds = array<i64: 2, 16>, scalar_prefetch = 0 : i64, scratch_operands = 6 : i64, tpu.core_type = #tpu.core_type<sc_vector_subcore>, window_params = [{transform_indices = #map}, {transform_indices = #map1}, {transform_indices = #map}, {transform_indices = #map2}, {transform_indices = #map3}, {transform_indices = #map2}]} {
    %mul3A = arith.constant 16 : i32
    %mul3A_0 = arith.muli %arg0, %mul3A : i32
    %add3A = arith.addi %mul3A_0, %arg1 : i32
    %mul3A_1 = arith.constant 640 : i32
    %mul3A_2 = arith.muli %arg1, %mul3A_1 : i32
    "tpu.region"() ({
      %run_scoped3A_43 = tpu.sem_alloc : memref<!tpu.dma_semaphore, #tpu.memory_space<semaphore_mem>>
      %dma_start3A_44 = arith.constant 0 : i32
      %dma_start3A_45 = tpu.memref_slice %arg11[%mul3A_2, %dma_start3A_44] : memref<10240x128xf32, #tpu.memory_space<vmem_shared>> -> memref<640x128xf32, #tpu.memory_space<vmem_shared>>
      tpu.enqueue_dma source(%arg4 : memref<640x128xf32, #tpu.memory_space<hbm>>) target(%dma_start3A_45 : memref<640x128xf32, #tpu.memory_space<vmem_shared>>) target_semaphore(%run_scoped3A_43 : memref<!tpu.dma_semaphore, #tpu.memory_space<semaphore_mem>>)
      %dma_wait3A_46 = arith.constant 0 : i32
      %dma_wait3A_47 = tpu.memref_slice %arg11[%mul3A_2, %dma_wait3A_46] : memref<10240x128xf32, #tpu.memory_space<vmem_shared>> -> memref<640x128xf32, #tpu.memory_space<vmem_shared>>
      tpu.wait_dma2 semaphore(%run_scoped3A_43 : memref<!tpu.dma_semaphore, #tpu.memory_space<semaphore_mem>>) src(%arg4 : memref<640x128xf32, #tpu.memory_space<hbm>>) dst(%dma_wait3A_47 : memref<640x128xf32, #tpu.memory_space<vmem_shared>>)
      tpu.yield
    }) : () -> ()
    "tpu.region"() ({
      %run_scoped3A_43 = tpu.sem_alloc : memref<!tpu.dma_semaphore, #tpu.memory_space<semaphore_mem>>
      tpu.enqueue_dma source(%arg5 : memref<10240xf32, #tpu.memory_space<hbm>>) target(%arg10 : memref<10240xf32, #tpu.memory_space<vmem>>) target_semaphore(%run_scoped3A_43 : memref<!tpu.dma_semaphore, #tpu.memory_space<semaphore_mem>>)
      tpu.wait_dma2 semaphore(%run_scoped3A_43 : memref<!tpu.dma_semaphore, #tpu.memory_space<semaphore_mem>>) src(%arg5 : memref<10240xf32, #tpu.memory_space<hbm>>) dst(%arg10 : memref<10240xf32, #tpu.memory_space<vmem>>)
      tpu.yield
    }) : () -> ()
    %barrier3A = arith.constant 0 : index
    tpu.barrier barrier_id(%barrier3A)
    %broadcast_in_dim3A = arith.constant 1.000000e+00 : f32
    %broadcast_in_dim3A_3 = vector.broadcast %broadcast_in_dim3A : f32 to vector<16xf32>
    %min3A = arith.constant 0 : i32
    %min3A_4 = arith.constant 77 : i32
    %min3A_5 = arith.minsi %min3A, %min3A_4 : i32
    %mul3A_6 = arith.constant 16 : i32
    %mul3A_7 = arith.muli %min3A_5, %mul3A_6 : i32
    %add3A_8 = arith.addi %mul3A_7, %arg1 : i32
    %run_scoped3A = arith.constant 0 : i32
    "tpu.region"() ({
      %run_scoped3A_43 = tpu.sem_alloc : memref<!tpu.dma_semaphore, #tpu.memory_space<semaphore_mem>>
      %dma_start3A_44 = arith.constant 0 : i32
      %dma_start3A_45 = arith.constant 0 : i32
      %dma_start3A_46 = tpu.memref_slice %arg8[%run_scoped3A, %dma_start3A_44, %dma_start3A_45] : memref<2x2x128xi32, #tpu.memory_space<vmem>> -> memref<1x2x128xi32, #tpu.memory_space<vmem>>
      %dma_start3A_47 = tpu.memref_squeeze %dma_start3A_46 : memref<1x2x128xi32, #tpu.memory_space<vmem>> -> memref<2x128xi32, #tpu.memory_space<vmem>>
      %dma_start3A_48 = arith.constant 0 : i32
      %dma_start3A_49 = arith.constant 0 : i32
      %dma_start3A_50 = tpu.memref_slice %arg3[%arg0, %add3A_8, %dma_start3A_48, %dma_start3A_49] : memref<2x1250x2x128xi32, #tpu.memory_space<hbm>> -> memref<1x1x2x128xi32, #tpu.memory_space<hbm>>
      %dma_start3A_51 = tpu.memref_squeeze %dma_start3A_50 : memref<1x1x2x128xi32, #tpu.memory_space<hbm>> -> memref<2x128xi32, #tpu.memory_space<hbm>>
      %dma_start3A_52 = arith.constant 0 : i32
      %dma_start3A_53 = arith.constant 0 : i32
      %dma_start3A_54 = tpu.memref_slice %arg8[%run_scoped3A, %dma_start3A_52, %dma_start3A_53] : memref<2x2x128xi32, #tpu.memory_space<vmem>> -> memref<1x2x128xi32, #tpu.memory_space<vmem>>
      %dma_start3A_55 = tpu.memref_squeeze %dma_start3A_54 : memref<1x2x128xi32, #tpu.memory_space<vmem>> -> memref<2x128xi32, #tpu.memory_space<vmem>>
      %dma_start3A_56 = arith.constant 0 : i32
      %dma_start3A_57 = arith.constant 0 : i32
      %dma_start3A_58 = tpu.memref_slice %arg3[%arg0, %add3A_8, %dma_start3A_56, %dma_start3A_57] : memref<2x1250x2x128xi32, #tpu.memory_space<hbm>> -> memref<1x1x2x128xi32, #tpu.memory_space<hbm>>
      %dma_start3A_59 = tpu.memref_squeeze %dma_start3A_58 : memref<1x1x2x128xi32, #tpu.memory_space<hbm>> -> memref<2x128xi32, #tpu.memory_space<hbm>>
      tpu.enqueue_dma source(%dma_start3A_59 : memref<2x128xi32, #tpu.memory_space<hbm>>) target(%dma_start3A_55 : memref<2x128xi32, #tpu.memory_space<vmem>>) target_semaphore(%run_scoped3A_43 : memref<!tpu.dma_semaphore, #tpu.memory_space<semaphore_mem>>)
      %dma_wait3A_60 = arith.constant 0 : i32
      %dma_wait3A_61 = arith.constant 0 : i32
      %dma_wait3A_62 = tpu.memref_slice %arg8[%run_scoped3A, %dma_wait3A_60, %dma_wait3A_61] : memref<2x2x128xi32, #tpu.memory_space<vmem>> -> memref<1x2x128xi32, #tpu.memory_space<vmem>>
      %dma_wait3A_63 = tpu.memref_squeeze %dma_wait3A_62 : memref<1x2x128xi32, #tpu.memory_space<vmem>> -> memref<2x128xi32, #tpu.memory_space<vmem>>
      %dma_wait3A_64 = arith.constant 0 : i32
      %dma_wait3A_65 = arith.constant 0 : i32
      %dma_wait3A_66 = tpu.memref_slice %arg3[%arg0, %add3A_8, %dma_wait3A_64, %dma_wait3A_65] : memref<2x1250x2x128xi32, #tpu.memory_space<hbm>> -> memref<1x1x2x128xi32, #tpu.memory_space<hbm>>
      %dma_wait3A_67 = tpu.memref_squeeze %dma_wait3A_66 : memref<1x1x2x128xi32, #tpu.memory_space<hbm>> -> memref<2x128xi32, #tpu.memory_space<hbm>>
      %dma_wait3A_68 = arith.constant 0 : i32
      %dma_wait3A_69 = arith.constant 0 : i32
      %dma_wait3A_70 = tpu.memref_slice %arg8[%run_scoped3A, %dma_wait3A_68, %dma_wait3A_69] : memref<2x2x128xi32, #tpu.memory_space<vmem>> -> memref<1x2x128xi32, #tpu.memory_space<vmem>>
      %dma_wait3A_71 = tpu.memref_squeeze %dma_wait3A_70 : memref<1x2x128xi32, #tpu.memory_space<vmem>> -> memref<2x128xi32, #tpu.memory_space<vmem>>
      %dma_wait3A_72 = arith.constant 0 : i32
      %dma_wait3A_73 = arith.constant 0 : i32
      %dma_wait3A_74 = tpu.memref_slice %arg3[%arg0, %add3A_8, %dma_wait3A_72, %dma_wait3A_73] : memref<2x1250x2x128xi32, #tpu.memory_space<hbm>> -> memref<1x1x2x128xi32, #tpu.memory_space<hbm>>
      %dma_wait3A_75 = tpu.memref_squeeze %dma_wait3A_74 : memref<1x1x2x128xi32, #tpu.memory_space<hbm>> -> memref<2x128xi32, #tpu.memory_space<hbm>>
      tpu.wait_dma2 semaphore(%run_scoped3A_43 : memref<!tpu.dma_semaphore, #tpu.memory_space<semaphore_mem>>) src(%dma_wait3A_75 : memref<2x128xi32, #tpu.memory_space<hbm>>) dst(%dma_wait3A_71 : memref<2x128xi32, #tpu.memory_space<vmem>>)
      tpu.yield
    }) : () -> ()
    %dma_start3A = arith.constant 0 : i32
    %dma_start3A_9 = arith.constant 0 : i32
    %dma_start3A_10 = arith.constant 0 : i32
    %dma_start3A_11 = arith.constant 0 : i32
    %dma_start3A_12 = arith.constant 0 : i32
    %dma_start3A_13 = tpu.memref_slice %arg9[%dma_start3A_10, %dma_start3A_11, %dma_start3A_12] : memref<2x128x128xf32, #tpu.memory_space<vmem>> -> memref<1x128x128xf32, #tpu.memory_space<vmem>>
    %dma_start3A_14 = tpu.memref_squeeze %dma_start3A_13 : memref<1x128x128xf32, #tpu.memory_space<vmem>> -> memref<128x128xf32, #tpu.memory_space<vmem>>
    %dma_start3A_15 = arith.constant 0 : i32
    %dma_start3A_16 = tpu.memref_slice %arg8[%dma_start3A, %dma_start3A_9, %dma_start3A_15] : memref<2x2x128xi32, #tpu.memory_space<vmem>> -> memref<1x1x128xi32, #tpu.memory_space<vmem>>
    %dma_start3A_17 = tpu.memref_squeeze %dma_start3A_16 : memref<1x1x128xi32, #tpu.memory_space<vmem>> -> memref<128xi32, #tpu.memory_space<vmem>>
    %dma_start3A_18 = arith.constant 0 : i32
    %dma_start3A_19 = arith.constant 0 : i32
    %dma_start3A_20 = tpu.memref_slice %arg2[%dma_start3A_18, %dma_start3A_19] : memref<20000x128xf32, #tpu.memory_space<hbm>> -> memref<20000x128xf32, #tpu.memory_space<hbm>>
    tpu.enqueue_indirect_dma source(%dma_start3A_20 : memref<20000x128xf32, #tpu.memory_space<hbm>>) target(%dma_start3A_14 : memref<128x128xf32, #tpu.memory_space<vmem>>) offsets(%dma_start3A_17 : memref<128xi32, #tpu.memory_space<vmem>>) semaphore(%arg12 : memref<!tpu.dma_semaphore, #tpu.memory_space<semaphore_mem>>)
    %scan3A = arith.constant 0 : i32
    %scan3A_21 = arith.constant 0 : i32
    %scan3A_22 = arith.constant 39 : i32
    %scan3A_23 = arith.addi %scan3A_21, %scan3A_22 : i32
    %scan3A_24 = arith.constant 1 : i32
    scf.for %scan3A_43 = %scan3A_21 to %scan3A_23 step %scan3A_24  : i32 {
      %mul3A_44 = arith.constant 2 : i32
      %mul3A_45 = arith.muli %mul3A_44, %scan3A_43 : i32
      %add3A_46 = arith.constant 1 : i32
      %add3A_47 = arith.addi %mul3A_45, %add3A_46 : i32
      %min3A_48 = arith.constant 77 : i32
      %min3A_49 = arith.minsi %add3A_47, %min3A_48 : i32
      %mul3A_50 = arith.constant 16 : i32
      %mul3A_51 = arith.muli %min3A_49, %mul3A_50 : i32
      %add3A_52 = arith.addi %mul3A_51, %arg1 : i32
      %run_scoped3A_53 = arith.constant 1 : i32
      "tpu.region"() ({
        %run_scoped3A_215 = tpu.sem_alloc : memref<!tpu.dma_semaphore, #tpu.memory_space<semaphore_mem>>
        %dma_start3A_216 = arith.constant 0 : i32
        %dma_start3A_217 = arith.constant 0 : i32
        %dma_start3A_218 = tpu.memref_slice %arg8[%run_scoped3A_53, %dma_start3A_216, %dma_start3A_217] : memref<2x2x128xi32, #tpu.memory_space<vmem>> -> memref<1x2x128xi32, #tpu.memory_space<vmem>>
        %dma_start3A_219 = tpu.memref_squeeze %dma_start3A_218 : memref<1x2x128xi32, #tpu.memory_space<vmem>> -> memref<2x128xi32, #tpu.memory_space<vmem>>
        %dma_start3A_220 = arith.constant 0 : i32
        %dma_start3A_221 = arith.constant 0 : i32
        %dma_start3A_222 = tpu.memref_slice %arg3[%arg0, %add3A_52, %dma_start3A_220, %dma_start3A_221] : memref<2x1250x2x128xi32, #tpu.memory_space<hbm>> -> memref<1x1x2x128xi32, #tpu.memory_space<hbm>>
        %dma_start3A_223 = tpu.memref_squeeze %dma_start3A_222 : memref<1x1x2x128xi32, #tpu.memory_space<hbm>> -> memref<2x128xi32, #tpu.memory_space<hbm>>
        %dma_start3A_224 = arith.constant 0 : i32
        %dma_start3A_225 = arith.constant 0 : i32
        %dma_start3A_226 = tpu.memref_slice %arg8[%run_scoped3A_53, %dma_start3A_224, %dma_start3A_225] : memref<2x2x128xi32, #tpu.memory_space<vmem>> -> memref<1x2x128xi32, #tpu.memory_space<vmem>>
        %dma_start3A_227 = tpu.memref_squeeze %dma_start3A_226 : memref<1x2x128xi32, #tpu.memory_space<vmem>> -> memref<2x128xi32, #tpu.memory_space<vmem>>
        %dma_start3A_228 = arith.constant 0 : i32
        %dma_start3A_229 = arith.constant 0 : i32
        %dma_start3A_230 = tpu.memref_slice %arg3[%arg0, %add3A_52, %dma_start3A_228, %dma_start3A_229] : memref<2x1250x2x128xi32, #tpu.memory_space<hbm>> -> memref<1x1x2x128xi32, #tpu.memory_space<hbm>>
        %dma_start3A_231 = tpu.memref_squeeze %dma_start3A_230 : memref<1x1x2x128xi32, #tpu.memory_space<hbm>> -> memref<2x128xi32, #tpu.memory_space<hbm>>
        tpu.enqueue_dma source(%dma_start3A_231 : memref<2x128xi32, #tpu.memory_space<hbm>>) target(%dma_start3A_227 : memref<2x128xi32, #tpu.memory_space<vmem>>) target_semaphore(%run_scoped3A_215 : memref<!tpu.dma_semaphore, #tpu.memory_space<semaphore_mem>>)
        %dma_wait3A_232 = arith.constant 0 : i32
        %dma_wait3A_233 = arith.constant 0 : i32
        %dma_wait3A_234 = tpu.memref_slice %arg8[%run_scoped3A_53, %dma_wait3A_232, %dma_wait3A_233] : memref<2x2x128xi32, #tpu.memory_space<vmem>> -> memref<1x2x128xi32, #tpu.memory_space<vmem>>
        %dma_wait3A_235 = tpu.memref_squeeze %dma_wait3A_234 : memref<1x2x128xi32, #tpu.memory_space<vmem>> -> memref<2x128xi32, #tpu.memory_space<vmem>>
        %dma_wait3A_236 = arith.constant 0 : i32
        %dma_wait3A_237 = arith.constant 0 : i32
        %dma_wait3A_238 = tpu.memref_slice %arg3[%arg0, %add3A_52, %dma_wait3A_236, %dma_wait3A_237] : memref<2x1250x2x128xi32, #tpu.memory_space<hbm>> -> memref<1x1x2x128xi32, #tpu.memory_space<hbm>>
        %dma_wait3A_239 = tpu.memref_squeeze %dma_wait3A_238 : memref<1x1x2x128xi32, #tpu.memory_space<hbm>> -> memref<2x128xi32, #tpu.memory_space<hbm>>
        %dma_wait3A_240 = arith.constant 0 : i32
        %dma_wait3A_241 = arith.constant 0 : i32
        %dma_wait3A_242 = tpu.memref_slice %arg8[%run_scoped3A_53, %dma_wait3A_240, %dma_wait3A_241] : memref<2x2x128xi32, #tpu.memory_space<vmem>> -> memref<1x2x128xi32, #tpu.memory_space<vmem>>
        %dma_wait3A_243 = tpu.memref_squeeze %dma_wait3A_242 : memref<1x2x128xi32, #tpu.memory_space<vmem>> -> memref<2x128xi32, #tpu.memory_space<vmem>>
        %dma_wait3A_244 = arith.constant 0 : i32
        %dma_wait3A_245 = arith.constant 0 : i32
        %dma_wait3A_246 = tpu.memref_slice %arg3[%arg0, %add3A_52, %dma_wait3A_244, %dma_wait3A_245] : memref<2x1250x2x128xi32, #tpu.memory_space<hbm>> -> memref<1x1x2x128xi32, #tpu.memory_space<hbm>>
        %dma_wait3A_247 = tpu.memref_squeeze %dma_wait3A_246 : memref<1x1x2x128xi32, #tpu.memory_space<hbm>> -> memref<2x128xi32, #tpu.memory_space<hbm>>
        tpu.wait_dma2 semaphore(%run_scoped3A_215 : memref<!tpu.dma_semaphore, #tpu.memory_space<semaphore_mem>>) src(%dma_wait3A_247 : memref<2x128xi32, #tpu.memory_space<hbm>>) dst(%dma_wait3A_243 : memref<2x128xi32, #tpu.memory_space<vmem>>)
        tpu.yield
      }) : () -> ()
      %dma_start3A_54 = arith.constant 1 : i32
      %dma_start3A_55 = arith.constant 0 : i32
      %dma_start3A_56 = arith.constant 1 : i32
      %dma_start3A_57 = arith.constant 0 : i32
      %dma_start3A_58 = arith.constant 0 : i32
      %dma_start3A_59 = tpu.memref_slice %arg9[%dma_start3A_56, %dma_start3A_57, %dma_start3A_58] : memref<2x128x128xf32, #tpu.memory_space<vmem>> -> memref<1x128x128xf32, #tpu.memory_space<vmem>>
      %dma_start3A_60 = tpu.memref_squeeze %dma_start3A_59 : memref<1x128x128xf32, #tpu.memory_space<vmem>> -> memref<128x128xf32, #tpu.memory_space<vmem>>
      %dma_start3A_61 = arith.constant 0 : i32
      %dma_start3A_62 = tpu.memref_slice %arg8[%dma_start3A_54, %dma_start3A_55, %dma_start3A_61] : memref<2x2x128xi32, #tpu.memory_space<vmem>> -> memref<1x1x128xi32, #tpu.memory_space<vmem>>
      %dma_start3A_63 = tpu.memref_squeeze %dma_start3A_62 : memref<1x1x128xi32, #tpu.memory_space<vmem>> -> memref<128xi32, #tpu.memory_space<vmem>>
      %dma_start3A_64 = arith.constant 0 : i32
      %dma_start3A_65 = arith.constant 0 : i32
      %dma_start3A_66 = tpu.memref_slice %arg2[%dma_start3A_64, %dma_start3A_65] : memref<20000x128xf32, #tpu.memory_space<hbm>> -> memref<20000x128xf32, #tpu.memory_space<hbm>>
      tpu.enqueue_indirect_dma source(%dma_start3A_66 : memref<20000x128xf32, #tpu.memory_space<hbm>>) target(%dma_start3A_60 : memref<128x128xf32, #tpu.memory_space<vmem>>) offsets(%dma_start3A_63 : memref<128xi32, #tpu.memory_space<vmem>>) semaphore(%arg13 : memref<!tpu.dma_semaphore, #tpu.memory_space<semaphore_mem>>)
      %get3A = arith.constant 0 : i32
      %get3A_67 = arith.constant 1 : i32
      %get3A_68 = arith.index_cast %get3A : i32 to index
      %get3A_69 = arith.index_cast %get3A_67 : i32 to index
      %get3A_70 = arith.constant 0 : index
      %get3A_71 = tpu.vector_load %arg8[%get3A_68, %get3A_69, %get3A_70] {strides = array<i32>} : memref<2x2x128xi32, #tpu.memory_space<vmem>>, vector<16xi32>,
      tpu.vector_store_idx %arg10[%get3A_71], %broadcast_in_dim3A_3 {add = true} : memref<10240xf32, #tpu.memory_space<vmem>>[vector<16xi32>], vector<16xf32>,
      %get3A_72 = arith.constant 0 : i32
      %get3A_73 = arith.constant 1 : i32
      %get3A_74 = arith.index_cast %get3A_72 : i32 to index
      %get3A_75 = arith.index_cast %get3A_73 : i32 to index
      %get3A_76 = arith.constant 16 : index
      %get3A_77 = tpu.vector_load %arg8[%get3A_74, %get3A_75, %get3A_76] {strides = array<i32>} : memref<2x2x128xi32, #tpu.memory_space<vmem>>, vector<16xi32>,
      tpu.vector_store_idx %arg10[%get3A_77], %broadcast_in_dim3A_3 {add = true} : memref<10240xf32, #tpu.memory_space<vmem>>[vector<16xi32>], vector<16xf32>,
      %get3A_78 = arith.constant 0 : i32
      %get3A_79 = arith.constant 1 : i32
      %get3A_80 = arith.index_cast %get3A_78 : i32 to index
      %get3A_81 = arith.index_cast %get3A_79 : i32 to index
      %get3A_82 = arith.constant 32 : index
      %get3A_83 = tpu.vector_load %arg8[%get3A_80, %get3A_81, %get3A_82] {strides = array<i32>} : memref<2x2x128xi32, #tpu.memory_space<vmem>>, vector<16xi32>,
      tpu.vector_store_idx %arg10[%get3A_83], %broadcast_in_dim3A_3 {add = true} : memref<10240xf32, #tpu.memory_space<vmem>>[vector<16xi32>], vector<16xf32>,
      %get3A_84 = arith.constant 0 : i32
      %get3A_85 = arith.constant 1 : i32
      %get3A_86 = arith.index_cast %get3A_84 : i32 to index
      %get3A_87 = arith.index_cast %get3A_85 : i32 to index
      %get3A_88 = arith.constant 48 : index
      %get3A_89 = tpu.vector_load %arg8[%get3A_86, %get3A_87, %get3A_88] {strides = array<i32>} : memref<2x2x128xi32, #tpu.memory_space<vmem>>, vector<16xi32>,
      tpu.vector_store_idx %arg10[%get3A_89], %broadcast_in_dim3A_3 {add = true} : memref<10240xf32, #tpu.memory_space<vmem>>[vector<16xi32>], vector<16xf32>,
      %get3A_90 = arith.constant 0 : i32
      %get3A_91 = arith.constant 1 : i32
      %get3A_92 = arith.index_cast %get3A_90 : i32 to index
      %get3A_93 = arith.index_cast %get3A_91 : i32 to index
      %get3A_94 = arith.constant 64 : index
      %get3A_95 = tpu.vector_load %arg8[%get3A_92, %get3A_93, %get3A_94] {strides = array<i32>} : memref<2x2x128xi32, #tpu.memory_space<vmem>>, vector<16xi32>,
      tpu.vector_store_idx %arg10[%get3A_95], %broadcast_in_dim3A_3 {add = true} : memref<10240xf32, #tpu.memory_space<vmem>>[vector<16xi32>], vector<16xf32>,
      %get3A_96 = arith.constant 0 : i32
      %get3A_97 = arith.constant 1 : i32
      %get3A_98 = arith.index_cast %get3A_96 : i32 to index
      %get3A_99 = arith.index_cast %get3A_97 : i32 to index
      %get3A_100 = arith.constant 80 : index
      %get3A_101 = tpu.vector_load %arg8[%get3A_98, %get3A_99, %get3A_100] {strides = array<i32>} : memref<2x2x128xi32, #tpu.memory_space<vmem>>, vector<16xi32>,
      tpu.vector_store_idx %arg10[%get3A_101], %broadcast_in_dim3A_3 {add = true} : memref<10240xf32, #tpu.memory_space<vmem>>[vector<16xi32>], vector<16xf32>,
      %get3A_102 = arith.constant 0 : i32
      %get3A_103 = arith.constant 1 : i32
      %get3A_104 = arith.index_cast %get3A_102 : i32 to index
      %get3A_105 = arith.index_cast %get3A_103 : i32 to index
      %get3A_106 = arith.constant 96 : index
      %get3A_107 = tpu.vector_load %arg8[%get3A_104, %get3A_105, %get3A_106] {strides = array<i32>} : memref<2x2x128xi32, #tpu.memory_space<vmem>>, vector<16xi32>,
      tpu.vector_store_idx %arg10[%get3A_107], %broadcast_in_dim3A_3 {add = true} : memref<10240xf32, #tpu.memory_space<vmem>>[vector<16xi32>], vector<16xf32>,
      %get3A_108 = arith.constant 0 : i32
      %get3A_109 = arith.constant 1 : i32
      %get3A_110 = arith.index_cast %get3A_108 : i32 to index
      %get3A_111 = arith.index_cast %get3A_109 : i32 to index
      %get3A_112 = arith.constant 112 : index
      %get3A_113 = tpu.vector_load %arg8[%get3A_110, %get3A_111, %get3A_112] {strides = array<i32>} : memref<2x2x128xi32, #tpu.memory_space<vmem>>, vector<16xi32>,
      tpu.vector_store_idx %arg10[%get3A_113], %broadcast_in_dim3A_3 {add = true} : memref<10240xf32, #tpu.memory_space<vmem>>[vector<16xi32>], vector<16xf32>,
      %dma_wait3A_114 = arith.constant 0 : i32
      %dma_wait3A_115 = arith.constant 0 : i32
      %dma_wait3A_116 = arith.constant 0 : i32
      %dma_wait3A_117 = arith.constant 0 : i32
      %dma_wait3A_118 = arith.constant 0 : i32
      %dma_wait3A_119 = tpu.memref_slice %arg9[%dma_wait3A_116, %dma_wait3A_117, %dma_wait3A_118] : memref<2x128x128xf32, #tpu.memory_space<vmem>> -> memref<1x128x128xf32, #tpu.memory_space<vmem>>
      %dma_wait3A_120 = tpu.memref_squeeze %dma_wait3A_119 : memref<1x128x128xf32, #tpu.memory_space<vmem>> -> memref<128x128xf32, #tpu.memory_space<vmem>>
      %dma_wait3A_121 = arith.constant 0 : i32
      %dma_wait3A_122 = tpu.memref_slice %arg8[%dma_wait3A_114, %dma_wait3A_115, %dma_wait3A_121] : memref<2x2x128xi32, #tpu.memory_space<vmem>> -> memref<1x1x128xi32, #tpu.memory_space<vmem>>
      %dma_wait3A_123 = tpu.memref_squeeze %dma_wait3A_122 : memref<1x1x128xi32, #tpu.memory_space<vmem>> -> memref<128xi32, #tpu.memory_space<vmem>>
      %dma_wait3A_124 = arith.constant 0 : i32
      %dma_wait3A_125 = arith.constant 0 : i32
      %dma_wait3A_126 = tpu.memref_slice %arg2[%dma_wait3A_124, %dma_wait3A_125] : memref<20000x128xf32, #tpu.memory_space<hbm>> -> memref<20000x128xf32, #tpu.memory_space<hbm>>
      tpu.wait_indirect_dma semaphore(%arg12 : memref<!tpu.dma_semaphore, #tpu.memory_space<semaphore_mem>>) src(%dma_wait3A_126 : memref<20000x128xf32, #tpu.memory_space<hbm>>) dst(%dma_wait3A_120 : memref<128x128xf32, #tpu.memory_space<vmem>>)
      %run_scoped3A_127 = arith.constant 0 : i32
      %run_scoped3A_128 = arith.constant 0 : i32
      %run_scoped3A_129 = arith.constant 1 : i32
      "tpu.region"() ({
        %run_scoped3A_215 = tpu.sem_alloc : memref<!tpu.dma_semaphore, #tpu.memory_space<semaphore_mem>>
        %dma_start3A_216 = arith.constant 0 : i32
        %dma_start3A_217 = arith.constant 0 : i32
        %dma_start3A_218 = tpu.memref_slice %arg9[%run_scoped3A_127, %dma_start3A_216, %dma_start3A_217] : memref<2x128x128xf32, #tpu.memory_space<vmem>> -> memref<1x128x128xf32, #tpu.memory_space<vmem>>
        %dma_start3A_219 = tpu.memref_squeeze %dma_start3A_218 : memref<1x128x128xf32, #tpu.memory_space<vmem>> -> memref<128x128xf32, #tpu.memory_space<vmem>>
        %dma_start3A_220 = arith.constant 0 : i32
        %dma_start3A_221 = tpu.memref_slice %arg8[%run_scoped3A_128, %run_scoped3A_129, %dma_start3A_220] : memref<2x2x128xi32, #tpu.memory_space<vmem>> -> memref<1x1x128xi32, #tpu.memory_space<vmem>>
        %dma_start3A_222 = tpu.memref_squeeze %dma_start3A_221 : memref<1x1x128xi32, #tpu.memory_space<vmem>> -> memref<128xi32, #tpu.memory_space<vmem>>
        %dma_start3A_223 = arith.constant 0 : i32
        %dma_start3A_224 = arith.constant 0 : i32
        %dma_start3A_225 = tpu.memref_slice %arg11[%dma_start3A_223, %dma_start3A_224] : memref<10240x128xf32, #tpu.memory_space<vmem_shared>> -> memref<10240x128xf32, #tpu.memory_space<vmem_shared>>
        tpu.enqueue_indirect_dma source(%dma_start3A_219 : memref<128x128xf32, #tpu.memory_space<vmem>>) target(%dma_start3A_225 : memref<10240x128xf32, #tpu.memory_space<vmem_shared>>) offsets(%dma_start3A_222 : memref<128xi32, #tpu.memory_space<vmem>>) semaphore(%run_scoped3A_215 : memref<!tpu.dma_semaphore, #tpu.memory_space<semaphore_mem>>) {add = true}
        %dma_wait3A_226 = arith.constant 0 : i32
        %dma_wait3A_227 = arith.constant 0 : i32
        %dma_wait3A_228 = tpu.memref_slice %arg9[%run_scoped3A_127, %dma_wait3A_226, %dma_wait3A_227] : memref<2x128x128xf32, #tpu.memory_space<vmem>> -> memref<1x128x128xf32, #tpu.memory_space<vmem>>
        %dma_wait3A_229 = tpu.memref_squeeze %dma_wait3A_228 : memref<1x128x128xf32, #tpu.memory_space<vmem>> -> memref<128x128xf32, #tpu.memory_space<vmem>>
        %dma_wait3A_230 = arith.constant 0 : i32
        %dma_wait3A_231 = tpu.memref_slice %arg8[%run_scoped3A_128, %run_scoped3A_129, %dma_wait3A_230] : memref<2x2x128xi32, #tpu.memory_space<vmem>> -> memref<1x1x128xi32, #tpu.memory_space<vmem>>
        %dma_wait3A_232 = tpu.memref_squeeze %dma_wait3A_231 : memref<1x1x128xi32, #tpu.memory_space<vmem>> -> memref<128xi32, #tpu.memory_space<vmem>>
        %dma_wait3A_233 = arith.constant 0 : i32
        %dma_wait3A_234 = arith.constant 0 : i32
        %dma_wait3A_235 = tpu.memref_slice %arg11[%dma_wait3A_233, %dma_wait3A_234] : memref<10240x128xf32, #tpu.memory_space<vmem_shared>> -> memref<10240x128xf32, #tpu.memory_space<vmem_shared>>
        tpu.wait_indirect_dma semaphore(%run_scoped3A_215 : memref<!tpu.dma_semaphore, #tpu.memory_space<semaphore_mem>>) src(%dma_wait3A_229 : memref<128x128xf32, #tpu.memory_space<vmem>>) dst(%dma_wait3A_235 : memref<10240x128xf32, #tpu.memory_space<vmem_shared>>)
        tpu.yield
      }) : () -> ()
      %add3A_130 = arith.constant 2 : i32
      %add3A_131 = arith.addi %mul3A_45, %add3A_130 : i32
      %min3A_132 = arith.constant 77 : i32
      %min3A_133 = arith.minsi %add3A_131, %min3A_132 : i32
      %mul3A_134 = arith.constant 16 : i32
      %mul3A_135 = arith.muli %min3A_133, %mul3A_134 : i32
      %add3A_136 = arith.addi %mul3A_135, %arg1 : i32
      %run_scoped3A_137 = arith.constant 0 : i32
      "tpu.region"() ({
        %run_scoped3A_215 = tpu.sem_alloc : memref<!tpu.dma_semaphore, #tpu.memory_space<semaphore_mem>>
        %dma_start3A_216 = arith.constant 0 : i32
        %dma_start3A_217 = arith.constant 0 : i32
        %dma_start3A_218 = tpu.memref_slice %arg8[%run_scoped3A_137, %dma_start3A_216, %dma_start3A_217] : memref<2x2x128xi32, #tpu.memory_space<vmem>> -> memref<1x2x128xi32, #tpu.memory_space<vmem>>
        %dma_start3A_219 = tpu.memref_squeeze %dma_start3A_218 : memref<1x2x128xi32, #tpu.memory_space<vmem>> -> memref<2x128xi32, #tpu.memory_space<vmem>>
        %dma_start3A_220 = arith.constant 0 : i32
        %dma_start3A_221 = arith.constant 0 : i32
        %dma_start3A_222 = tpu.memref_slice %arg3[%arg0, %add3A_136, %dma_start3A_220, %dma_start3A_221] : memref<2x1250x2x128xi32, #tpu.memory_space<hbm>> -> memref<1x1x2x128xi32, #tpu.memory_space<hbm>>
        %dma_start3A_223 = tpu.memref_squeeze %dma_start3A_222 : memref<1x1x2x128xi32, #tpu.memory_space<hbm>> -> memref<2x128xi32, #tpu.memory_space<hbm>>
        %dma_start3A_224 = arith.constant 0 : i32
        %dma_start3A_225 = arith.constant 0 : i32
        %dma_start3A_226 = tpu.memref_slice %arg8[%run_scoped3A_137, %dma_start3A_224, %dma_start3A_225] : memref<2x2x128xi32, #tpu.memory_space<vmem>> -> memref<1x2x128xi32, #tpu.memory_space<vmem>>
        %dma_start3A_227 = tpu.memref_squeeze %dma_start3A_226 : memref<1x2x128xi32, #tpu.memory_space<vmem>> -> memref<2x128xi32, #tpu.memory_space<vmem>>
        %dma_start3A_228 = arith.constant 0 : i32
        %dma_start3A_229 = arith.constant 0 : i32
        %dma_start3A_230 = tpu.memref_slice %arg3[%arg0, %add3A_136, %dma_start3A_228, %dma_start3A_229] : memref<2x1250x2x128xi32, #tpu.memory_space<hbm>> -> memref<1x1x2x128xi32, #tpu.memory_space<hbm>>
        %dma_start3A_231 = tpu.memref_squeeze %dma_start3A_230 : memref<1x1x2x128xi32, #tpu.memory_space<hbm>> -> memref<2x128xi32, #tpu.memory_space<hbm>>
        tpu.enqueue_dma source(%dma_start3A_231 : memref<2x128xi32, #tpu.memory_space<hbm>>) target(%dma_start3A_227 : memref<2x128xi32, #tpu.memory_space<vmem>>) target_semaphore(%run_scoped3A_215 : memref<!tpu.dma_semaphore, #tpu.memory_space<semaphore_mem>>)
        %dma_wait3A_232 = arith.constant 0 : i32
        %dma_wait3A_233 = arith.constant 0 : i32
        %dma_wait3A_234 = tpu.memref_slice %arg8[%run_scoped3A_137, %dma_wait3A_232, %dma_wait3A_233] : memref<2x2x128xi32, #tpu.memory_space<vmem>> -> memref<1x2x128xi32, #tpu.memory_space<vmem>>
        %dma_wait3A_235 = tpu.memref_squeeze %dma_wait3A_234 : memref<1x2x128xi32, #tpu.memory_space<vmem>> -> memref<2x128xi32, #tpu.memory_space<vmem>>
        %dma_wait3A_236 = arith.constant 0 : i32
        %dma_wait3A_237 = arith.constant 0 : i32
        %dma_wait3A_238 = tpu.memref_slice %arg3[%arg0, %add3A_136, %dma_wait3A_236, %dma_wait3A_237] : memref<2x1250x2x128xi32, #tpu.memory_space<hbm>> -> memref<1x1x2x128xi32, #tpu.memory_space<hbm>>
        %dma_wait3A_239 = tpu.memref_squeeze %dma_wait3A_238 : memref<1x1x2x128xi32, #tpu.memory_space<hbm>> -> memref<2x128xi32, #tpu.memory_space<hbm>>
        %dma_wait3A_240 = arith.constant 0 : i32
        %dma_wait3A_241 = arith.constant 0 : i32
        %dma_wait3A_242 = tpu.memref_slice %arg8[%run_scoped3A_137, %dma_wait3A_240, %dma_wait3A_241] : memref<2x2x128xi32, #tpu.memory_space<vmem>> -> memref<1x2x128xi32, #tpu.memory_space<vmem>>
        %dma_wait3A_243 = tpu.memref_squeeze %dma_wait3A_242 : memref<1x2x128xi32, #tpu.memory_space<vmem>> -> memref<2x128xi32, #tpu.memory_space<vmem>>
        %dma_wait3A_244 = arith.constant 0 : i32
        %dma_wait3A_245 = arith.constant 0 : i32
        %dma_wait3A_246 = tpu.memref_slice %arg3[%arg0, %add3A_136, %dma_wait3A_244, %dma_wait3A_245] : memref<2x1250x2x128xi32, #tpu.memory_space<hbm>> -> memref<1x1x2x128xi32, #tpu.memory_space<hbm>>
        %dma_wait3A_247 = tpu.memref_squeeze %dma_wait3A_246 : memref<1x1x2x128xi32, #tpu.memory_space<hbm>> -> memref<2x128xi32, #tpu.memory_space<hbm>>
        tpu.wait_dma2 semaphore(%run_scoped3A_215 : memref<!tpu.dma_semaphore, #tpu.memory_space<semaphore_mem>>) src(%dma_wait3A_247 : memref<2x128xi32, #tpu.memory_space<hbm>>) dst(%dma_wait3A_243 : memref<2x128xi32, #tpu.memory_space<vmem>>)
        tpu.yield
      }) : () -> ()
      %dma_start3A_138 = arith.constant 0 : i32
      %dma_start3A_139 = arith.constant 0 : i32
      %dma_start3A_140 = arith.constant 0 : i32
      %dma_start3A_141 = arith.constant 0 : i32
      %dma_start3A_142 = arith.constant 0 : i32
      %dma_start3A_143 = tpu.memref_slice %arg9[%dma_start3A_140, %dma_start3A_141, %dma_start3A_142] : memref<2x128x128xf32, #tpu.memory_space<vmem>> -> memref<1x128x128xf32, #tpu.memory_space<vmem>>
      %dma_start3A_144 = tpu.memref_squeeze %dma_start3A_143 : memref<1x128x128xf32, #tpu.memory_space<vmem>> -> memref<128x128xf32, #tpu.memory_space<vmem>>
      %dma_start3A_145 = arith.constant 0 : i32
      %dma_start3A_146 = tpu.memref_slice %arg8[%dma_start3A_138, %dma_start3A_139, %dma_start3A_145] : memref<2x2x128xi32, #tpu.memory_space<vmem>> -> memref<1x1x128xi32, #tpu.memory_space<vmem>>
      %dma_start3A_147 = tpu.memref_squeeze %dma_start3A_146 : memref<1x1x128xi32, #tpu.memory_space<vmem>> -> memref<128xi32, #tpu.memory_space<vmem>>
      %dma_start3A_148 = arith.constant 0 : i32
      %dma_start3A_149 = arith.constant 0 : i32
      %dma_start3A_150 = tpu.memref_slice %arg2[%dma_start3A_148, %dma_start3A_149] : memref<20000x128xf32, #tpu.memory_space<hbm>> -> memref<20000x128xf32, #tpu.memory_space<hbm>>
      tpu.enqueue_indirect_dma source(%dma_start3A_150 : memref<20000x128xf32, #tpu.memory_space<hbm>>) target(%dma_start3A_144 : memref<128x128xf32, #tpu.memory_space<vmem>>) offsets(%dma_start3A_147 : memref<128xi32, #tpu.memory_space<vmem>>) semaphore(%arg12 : memref<!tpu.dma_semaphore, #tpu.memory_space<semaphore_mem>>)
      %get3A_151 = arith.constant 1 : i32
      %get3A_152 = arith.constant 1 : i32
      %get3A_153 = arith.index_cast %get3A_151 : i32 to index
      %get3A_154 = arith.index_cast %get3A_152 : i32 to index
      %get3A_155 = arith.constant 0 : index
      %get3A_156 = tpu.vector_load %arg8[%get3A_153, %get3A_154, %get3A_155] {strides = array<i32>} : memref<2x2x128xi32, #tpu.memory_space<vmem>>, vector<16xi32>,
      tpu.vector_store_idx %arg10[%get3A_156], %broadcast_in_dim3A_3 {add = true} : memref<10240xf32, #tpu.memory_space<vmem>>[vector<16xi32>], vector<16xf32>,
      %get3A_157 = arith.constant 1 : i32
      %get3A_158 = arith.constant 1 : i32
      %get3A_159 = arith.index_cast %get3A_157 : i32 to index
      %get3A_160 = arith.index_cast %get3A_158 : i32 to index
      %get3A_161 = arith.constant 16 : index
      %get3A_162 = tpu.vector_load %arg8[%get3A_159, %get3A_160, %get3A_161] {strides = array<i32>} : memref<2x2x128xi32, #tpu.memory_space<vmem>>, vector<16xi32>,
      tpu.vector_store_idx %arg10[%get3A_162], %broadcast_in_dim3A_3 {add = true} : memref<10240xf32, #tpu.memory_space<vmem>>[vector<16xi32>], vector<16xf32>,
      %get3A_163 = arith.constant 1 : i32
      %get3A_164 = arith.constant 1 : i32
      %get3A_165 = arith.index_cast %get3A_163 : i32 to index
      %get3A_166 = arith.index_cast %get3A_164 : i32 to index
      %get3A_167 = arith.constant 32 : index
      %get3A_168 = tpu.vector_load %arg8[%get3A_165, %get3A_166, %get3A_167] {strides = array<i32>} : memref<2x2x128xi32, #tpu.memory_space<vmem>>, vector<16xi32>,
      tpu.vector_store_idx %arg10[%get3A_168], %broadcast_in_dim3A_3 {add = true} : memref<10240xf32, #tpu.memory_space<vmem>>[vector<16xi32>], vector<16xf32>,
      %get3A_169 = arith.constant 1 : i32
      %get3A_170 = arith.constant 1 : i32
      %get3A_171 = arith.index_cast %get3A_169 : i32 to index
      %get3A_172 = arith.index_cast %get3A_170 : i32 to index
      %get3A_173 = arith.constant 48 : index
      %get3A_174 = tpu.vector_load %arg8[%get3A_171, %get3A_172, %get3A_173] {strides = array<i32>} : memref<2x2x128xi32, #tpu.memory_space<vmem>>, vector<16xi32>,
      tpu.vector_store_idx %arg10[%get3A_174], %broadcast_in_dim3A_3 {add = true} : memref<10240xf32, #tpu.memory_space<vmem>>[vector<16xi32>], vector<16xf32>,
      %get3A_175 = arith.constant 1 : i32
      %get3A_176 = arith.constant 1 : i32
      %get3A_177 = arith.index_cast %get3A_175 : i32 to index
      %get3A_178 = arith.index_cast %get3A_176 : i32 to index
      %get3A_179 = arith.constant 64 : index
      %get3A_180 = tpu.vector_load %arg8[%get3A_177, %get3A_178, %get3A_179] {strides = array<i32>} : memref<2x2x128xi32, #tpu.memory_space<vmem>>, vector<16xi32>,
      tpu.vector_store_idx %arg10[%get3A_180], %broadcast_in_dim3A_3 {add = true} : memref<10240xf32, #tpu.memory_space<vmem>>[vector<16xi32>], vector<16xf32>,
      %get3A_181 = arith.constant 1 : i32
      %get3A_182 = arith.constant 1 : i32
      %get3A_183 = arith.index_cast %get3A_181 : i32 to index
      %get3A_184 = arith.index_cast %get3A_182 : i32 to index
      %get3A_185 = arith.constant 80 : index
      %get3A_186 = tpu.vector_load %arg8[%get3A_183, %get3A_184, %get3A_185] {strides = array<i32>} : memref<2x2x128xi32, #tpu.memory_space<vmem>>, vector<16xi32>,
      tpu.vector_store_idx %arg10[%get3A_186], %broadcast_in_dim3A_3 {add = true} : memref<10240xf32, #tpu.memory_space<vmem>>[vector<16xi32>], vector<16xf32>,
      %get3A_187 = arith.constant 1 : i32
      %get3A_188 = arith.constant 1 : i32
      %get3A_189 = arith.index_cast %get3A_187 : i32 to index
      %get3A_190 = arith.index_cast %get3A_188 : i32 to index
      %get3A_191 = arith.constant 96 : index
      %get3A_192 = tpu.vector_load %arg8[%get3A_189, %get3A_190, %get3A_191] {strides = array<i32>} : memref<2x2x128xi32, #tpu.memory_space<vmem>>, vector<16xi32>,
      tpu.vector_store_idx %arg10[%get3A_192], %broadcast_in_dim3A_3 {add = true} : memref<10240xf32, #tpu.memory_space<vmem>>[vector<16xi32>], vector<16xf32>,
      %get3A_193 = arith.constant 1 : i32
      %get3A_194 = arith.constant 1 : i32
      %get3A_195 = arith.index_cast %get3A_193 : i32 to index
      %get3A_196 = arith.index_cast %get3A_194 : i32 to index
      %get3A_197 = arith.constant 112 : index
      %get3A_198 = tpu.vector_load %arg8[%get3A_195, %get3A_196, %get3A_197] {strides = array<i32>} : memref<2x2x128xi32, #tpu.memory_space<vmem>>, vector<16xi32>,
      tpu.vector_store_idx %arg10[%get3A_198], %broadcast_in_dim3A_3 {add = true} : memref<10240xf32, #tpu.memory_space<vmem>>[vector<16xi32>], vector<16xf32>,
      %dma_wait3A_199 = arith.constant 1 : i32
      %dma_wait3A_200 = arith.constant 0 : i32
      %dma_wait3A_201 = arith.constant 1 : i32
      %dma_wait3A_202 = arith.constant 0 : i32
      %dma_wait3A_203 = arith.constant 0 : i32
      %dma_wait3A_204 = tpu.memref_slice %arg9[%dma_wait3A_201, %dma_wait3A_202, %dma_wait3A_203] : memref<2x128x128xf32, #tpu.memory_space<vmem>> -> memref<1x128x128xf32, #tpu.memory_space<vmem>>
      %dma_wait3A_205 = tpu.memref_squeeze %dma_wait3A_204 : memref<1x128x128xf32, #tpu.memory_space<vmem>> -> memref<128x128xf32, #tpu.memory_space<vmem>>
      %dma_wait3A_206 = arith.constant 0 : i32
      %dma_wait3A_207 = tpu.memref_slice %arg8[%dma_wait3A_199, %dma_wait3A_200, %dma_wait3A_206] : memref<2x2x128xi32, #tpu.memory_space<vmem>> -> memref<1x1x128xi32, #tpu.memory_space<vmem>>
      %dma_wait3A_208 = tpu.memref_squeeze %dma_wait3A_207 : memref<1x1x128xi32, #tpu.memory_space<vmem>> -> memref<128xi32, #tpu.memory_space<vmem>>
      %dma_wait3A_209 = arith.constant 0 : i32
      %dma_wait3A_210 = arith.constant 0 : i32
      %dma_wait3A_211 = tpu.memref_slice %arg2[%dma_wait3A_209, %dma_wait3A_210] : memref<20000x128xf32, #tpu.memory_space<hbm>> -> memref<20000x128xf32, #tpu.memory_space<hbm>>
      tpu.wait_indirect_dma semaphore(%arg13 : memref<!tpu.dma_semaphore, #tpu.memory_space<semaphore_mem>>) src(%dma_wait3A_211 : memref<20000x128xf32, #tpu.memory_space<hbm>>) dst(%dma_wait3A_205 : memref<128x128xf32, #tpu.memory_space<vmem>>)
      %run_scoped3A_212 = arith.constant 1 : i32
      %run_scoped3A_213 = arith.constant 1 : i32
      %run_scoped3A_214 = arith.constant 1 : i32
      "tpu.region"() ({
        %run_scoped3A_215 = tpu.sem_alloc : memref<!tpu.dma_semaphore, #tpu.memory_space<semaphore_mem>>
        %dma_start3A_216 = arith.constant 0 : i32
        %dma_start3A_217 = arith.constant 0 : i32
        %dma_start3A_218 = tpu.memref_slice %arg9[%run_scoped3A_212, %dma_start3A_216, %dma_start3A_217] : memref<2x128x128xf32, #tpu.memory_space<vmem>> -> memref<1x128x128xf32, #tpu.memory_space<vmem>>
        %dma_start3A_219 = tpu.memref_squeeze %dma_start3A_218 : memref<1x128x128xf32, #tpu.memory_space<vmem>> -> memref<128x128xf32, #tpu.memory_space<vmem>>
        %dma_start3A_220 = arith.constant 0 : i32
        %dma_start3A_221 = tpu.memref_slice %arg8[%run_scoped3A_213, %run_scoped3A_214, %dma_start3A_220] : memref<2x2x128xi32, #tpu.memory_space<vmem>> -> memref<1x1x128xi32, #tpu.memory_space<vmem>>
        %dma_start3A_222 = tpu.memref_squeeze %dma_start3A_221 : memref<1x1x128xi32, #tpu.memory_space<vmem>> -> memref<128xi32, #tpu.memory_space<vmem>>
        %dma_start3A_223 = arith.constant 0 : i32
        %dma_start3A_224 = arith.constant 0 : i32
        %dma_start3A_225 = tpu.memref_slice %arg11[%dma_start3A_223, %dma_start3A_224] : memref<10240x128xf32, #tpu.memory_space<vmem_shared>> -> memref<10240x128xf32, #tpu.memory_space<vmem_shared>>
        tpu.enqueue_indirect_dma source(%dma_start3A_219 : memref<128x128xf32, #tpu.memory_space<vmem>>) target(%dma_start3A_225 : memref<10240x128xf32, #tpu.memory_space<vmem_shared>>) offsets(%dma_start3A_222 : memref<128xi32, #tpu.memory_space<vmem>>) semaphore(%run_scoped3A_215 : memref<!tpu.dma_semaphore, #tpu.memory_space<semaphore_mem>>) {add = true}
        %dma_wait3A_226 = arith.constant 0 : i32
        %dma_wait3A_227 = arith.constant 0 : i32
        %dma_wait3A_228 = tpu.memref_slice %arg9[%run_scoped3A_212, %dma_wait3A_226, %dma_wait3A_227] : memref<2x128x128xf32, #tpu.memory_space<vmem>> -> memref<1x128x128xf32, #tpu.memory_space<vmem>>
        %dma_wait3A_229 = tpu.memref_squeeze %dma_wait3A_228 : memref<1x128x128xf32, #tpu.memory_space<vmem>> -> memref<128x128xf32, #tpu.memory_space<vmem>>
        %dma_wait3A_230 = arith.constant 0 : i32
        %dma_wait3A_231 = tpu.memref_slice %arg8[%run_scoped3A_213, %run_scoped3A_214, %dma_wait3A_230] : memref<2x2x128xi32, #tpu.memory_space<vmem>> -> memref<1x1x128xi32, #tpu.memory_space<vmem>>
        %dma_wait3A_232 = tpu.memref_squeeze %dma_wait3A_231 : memref<1x1x128xi32, #tpu.memory_space<vmem>> -> memref<128xi32, #tpu.memory_space<vmem>>
        %dma_wait3A_233 = arith.constant 0 : i32
        %dma_wait3A_234 = arith.constant 0 : i32
        %dma_wait3A_235 = tpu.memref_slice %arg11[%dma_wait3A_233, %dma_wait3A_234] : memref<10240x128xf32, #tpu.memory_space<vmem_shared>> -> memref<10240x128xf32, #tpu.memory_space<vmem_shared>>
        tpu.wait_indirect_dma semaphore(%run_scoped3A_215 : memref<!tpu.dma_semaphore, #tpu.memory_space<semaphore_mem>>) src(%dma_wait3A_229 : memref<128x128xf32, #tpu.memory_space<vmem>>) dst(%dma_wait3A_235 : memref<10240x128xf32, #tpu.memory_space<vmem_shared>>)
        tpu.yield
      }) : () -> ()
    }
    %scan3A_25 = arith.constant 39 : i32
    %dma_wait3A = arith.constant 0 : i32
    %dma_wait3A_26 = arith.constant 0 : i32
    %dma_wait3A_27 = arith.constant 0 : i32
    %dma_wait3A_28 = arith.constant 0 : i32
    %dma_wait3A_29 = arith.constant 0 : i32
    %dma_wait3A_30 = tpu.memref_slice %arg9[%dma_wait3A_27, %dma_wait3A_28, %dma_wait3A_29] : memref<2x128x128xf32, #tpu.memory_space<vmem>> -> memref<1x128x128xf32, #tpu.memory_space<vmem>>
    %dma_wait3A_31 = tpu.memref_squeeze %dma_wait3A_30 : memref<1x128x128xf32, #tpu.memory_space<vmem>> -> memref<128x128xf32, #tpu.memory_space<vmem>>
    %dma_wait3A_32 = arith.constant 0 : i32
    %dma_wait3A_33 = tpu.memref_slice %arg8[%dma_wait3A, %dma_wait3A_26, %dma_wait3A_32] : memref<2x2x128xi32, #tpu.memory_space<vmem>> -> memref<1x1x128xi32, #tpu.memory_space<vmem>>
    %dma_wait3A_34 = tpu.memref_squeeze %dma_wait3A_33 : memref<1x1x128xi32, #tpu.memory_space<vmem>> -> memref<128xi32, #tpu.memory_space<vmem>>
    %dma_wait3A_35 = arith.constant 0 : i32
    %dma_wait3A_36 = arith.constant 0 : i32
    %dma_wait3A_37 = tpu.memref_slice %arg2[%dma_wait3A_35, %dma_wait3A_36] : memref<20000x128xf32, #tpu.memory_space<hbm>> -> memref<20000x128xf32, #tpu.memory_space<hbm>>
    tpu.wait_indirect_dma semaphore(%arg12 : memref<!tpu.dma_semaphore, #tpu.memory_space<semaphore_mem>>) src(%dma_wait3A_37 : memref<20000x128xf32, #tpu.memory_space<hbm>>) dst(%dma_wait3A_31 : memref<128x128xf32, #tpu.memory_space<vmem>>)
    %lt3A = arith.constant 2 : i32
    %lt3A_38 = arith.cmpi slt, %arg1, %lt3A : i32
    %convert_element_type3A = arith.extui %lt3A_38 : i1 to i32
    %cond3A = arith.constant 0 : i32
    %cond3A_39 = arith.cmpi ne, %convert_element_type3A, %cond3A : i32
    scf.if %cond3A_39 {
      %add3A_43 = arith.constant 1248 : i32
      %add3A_44 = arith.addi %add3A_43, %arg1 : i32
      %run_scoped3A_45 = arith.constant 0 : i32
      "tpu.region"() ({
        %run_scoped3A_122 = tpu.sem_alloc : memref<!tpu.dma_semaphore, #tpu.memory_space<semaphore_mem>>
        %dma_start3A_123 = arith.constant 0 : i32
        %dma_start3A_124 = arith.constant 0 : i32
        %dma_start3A_125 = tpu.memref_slice %arg8[%run_scoped3A_45, %dma_start3A_123, %dma_start3A_124] : memref<2x2x128xi32, #tpu.memory_space<vmem>> -> memref<1x2x128xi32, #tpu.memory_space<vmem>>
        %dma_start3A_126 = tpu.memref_squeeze %dma_start3A_125 : memref<1x2x128xi32, #tpu.memory_space<vmem>> -> memref<2x128xi32, #tpu.memory_space<vmem>>
        %dma_start3A_127 = arith.constant 0 : i32
        %dma_start3A_128 = arith.constant 0 : i32
        %dma_start3A_129 = tpu.memref_slice %arg3[%arg0, %add3A_44, %dma_start3A_127, %dma_start3A_128] : memref<2x1250x2x128xi32, #tpu.memory_space<hbm>> -> memref<1x1x2x128xi32, #tpu.memory_space<hbm>>
        %dma_start3A_130 = tpu.memref_squeeze %dma_start3A_129 : memref<1x1x2x128xi32, #tpu.memory_space<hbm>> -> memref<2x128xi32, #tpu.memory_space<hbm>>
        %dma_start3A_131 = arith.constant 0 : i32
        %dma_start3A_132 = arith.constant 0 : i32
        %dma_start3A_133 = tpu.memref_slice %arg8[%run_scoped3A_45, %dma_start3A_131, %dma_start3A_132] : memref<2x2x128xi32, #tpu.memory_space<vmem>> -> memref<1x2x128xi32, #tpu.memory_space<vmem>>
        %dma_start3A_134 = tpu.memref_squeeze %dma_start3A_133 : memref<1x2x128xi32, #tpu.memory_space<vmem>> -> memref<2x128xi32, #tpu.memory_space<vmem>>
        %dma_start3A_135 = arith.constant 0 : i32
        %dma_start3A_136 = arith.constant 0 : i32
        %dma_start3A_137 = tpu.memref_slice %arg3[%arg0, %add3A_44, %dma_start3A_135, %dma_start3A_136] : memref<2x1250x2x128xi32, #tpu.memory_space<hbm>> -> memref<1x1x2x128xi32, #tpu.memory_space<hbm>>
        %dma_start3A_138 = tpu.memref_squeeze %dma_start3A_137 : memref<1x1x2x128xi32, #tpu.memory_space<hbm>> -> memref<2x128xi32, #tpu.memory_space<hbm>>
        tpu.enqueue_dma source(%dma_start3A_138 : memref<2x128xi32, #tpu.memory_space<hbm>>) target(%dma_start3A_134 : memref<2x128xi32, #tpu.memory_space<vmem>>) target_semaphore(%run_scoped3A_122 : memref<!tpu.dma_semaphore, #tpu.memory_space<semaphore_mem>>)
        %dma_wait3A_139 = arith.constant 0 : i32
        %dma_wait3A_140 = arith.constant 0 : i32
        %dma_wait3A_141 = tpu.memref_slice %arg8[%run_scoped3A_45, %dma_wait3A_139, %dma_wait3A_140] : memref<2x2x128xi32, #tpu.memory_space<vmem>> -> memref<1x2x128xi32, #tpu.memory_space<vmem>>
        %dma_wait3A_142 = tpu.memref_squeeze %dma_wait3A_141 : memref<1x2x128xi32, #tpu.memory_space<vmem>> -> memref<2x128xi32, #tpu.memory_space<vmem>>
        %dma_wait3A_143 = arith.constant 0 : i32
        %dma_wait3A_144 = arith.constant 0 : i32
        %dma_wait3A_145 = tpu.memref_slice %arg3[%arg0, %add3A_44, %dma_wait3A_143, %dma_wait3A_144] : memref<2x1250x2x128xi32, #tpu.memory_space<hbm>> -> memref<1x1x2x128xi32, #tpu.memory_space<hbm>>
        %dma_wait3A_146 = tpu.memref_squeeze %dma_wait3A_145 : memref<1x1x2x128xi32, #tpu.memory_space<hbm>> -> memref<2x128xi32, #tpu.memory_space<hbm>>
        %dma_wait3A_147 = arith.constant 0 : i32
        %dma_wait3A_148 = arith.constant 0 : i32
        %dma_wait3A_149 = tpu.memref_slice %arg8[%run_scoped3A_45, %dma_wait3A_147, %dma_wait3A_148] : memref<2x2x128xi32, #tpu.memory_space<vmem>> -> memref<1x2x128xi32, #tpu.memory_space<vmem>>
        %dma_wait3A_150 = tpu.memref_squeeze %dma_wait3A_149 : memref<1x2x128xi32, #tpu.memory_space<vmem>> -> memref<2x128xi32, #tpu.memory_space<vmem>>
        %dma_wait3A_151 = arith.constant 0 : i32
        %dma_wait3A_152 = arith.constant 0 : i32
        %dma_wait3A_153 = tpu.memref_slice %arg3[%arg0, %add3A_44, %dma_wait3A_151, %dma_wait3A_152] : memref<2x1250x2x128xi32, #tpu.memory_space<hbm>> -> memref<1x1x2x128xi32, #tpu.memory_space<hbm>>
        %dma_wait3A_154 = tpu.memref_squeeze %dma_wait3A_153 : memref<1x1x2x128xi32, #tpu.memory_space<hbm>> -> memref<2x128xi32, #tpu.memory_space<hbm>>
        tpu.wait_dma2 semaphore(%run_scoped3A_122 : memref<!tpu.dma_semaphore, #tpu.memory_space<semaphore_mem>>) src(%dma_wait3A_154 : memref<2x128xi32, #tpu.memory_space<hbm>>) dst(%dma_wait3A_150 : memref<2x128xi32, #tpu.memory_space<vmem>>)
        tpu.yield
      }) : () -> ()
      %dma_start3A_46 = arith.constant 0 : i32
      %dma_start3A_47 = arith.constant 0 : i32
      %dma_start3A_48 = arith.constant 0 : i32
      %dma_start3A_49 = arith.constant 0 : i32
      %dma_start3A_50 = arith.constant 0 : i32
      %dma_start3A_51 = tpu.memref_slice %arg9[%dma_start3A_48, %dma_start3A_49, %dma_start3A_50] : memref<2x128x128xf32, #tpu.memory_space<vmem>> -> memref<1x128x128xf32, #tpu.memory_space<vmem>>
      %dma_start3A_52 = tpu.memref_squeeze %dma_start3A_51 : memref<1x128x128xf32, #tpu.memory_space<vmem>> -> memref<128x128xf32, #tpu.memory_space<vmem>>
      %dma_start3A_53 = arith.constant 0 : i32
      %dma_start3A_54 = tpu.memref_slice %arg8[%dma_start3A_46, %dma_start3A_47, %dma_start3A_53] : memref<2x2x128xi32, #tpu.memory_space<vmem>> -> memref<1x1x128xi32, #tpu.memory_space<vmem>>
      %dma_start3A_55 = tpu.memref_squeeze %dma_start3A_54 : memref<1x1x128xi32, #tpu.memory_space<vmem>> -> memref<128xi32, #tpu.memory_space<vmem>>
      %dma_start3A_56 = arith.constant 0 : i32
      %dma_start3A_57 = arith.constant 0 : i32
      %dma_start3A_58 = tpu.memref_slice %arg2[%dma_start3A_56, %dma_start3A_57] : memref<20000x128xf32, #tpu.memory_space<hbm>> -> memref<20000x128xf32, #tpu.memory_space<hbm>>
      tpu.enqueue_indirect_dma source(%dma_start3A_58 : memref<20000x128xf32, #tpu.memory_space<hbm>>) target(%dma_start3A_52 : memref<128x128xf32, #tpu.memory_space<vmem>>) offsets(%dma_start3A_55 : memref<128xi32, #tpu.memory_space<vmem>>) semaphore(%arg12 : memref<!tpu.dma_semaphore, #tpu.memory_space<semaphore_mem>>)
      %dma_wait3A_59 = arith.constant 0 : i32
      %dma_wait3A_60 = arith.constant 0 : i32
      %dma_wait3A_61 = arith.constant 0 : i32
      %dma_wait3A_62 = arith.constant 0 : i32
      %dma_wait3A_63 = arith.constant 0 : i32
      %dma_wait3A_64 = tpu.memref_slice %arg9[%dma_wait3A_61, %dma_wait3A_62, %dma_wait3A_63] : memref<2x128x128xf32, #tpu.memory_space<vmem>> -> memref<1x128x128xf32, #tpu.memory_space<vmem>>
      %dma_wait3A_65 = tpu.memref_squeeze %dma_wait3A_64 : memref<1x128x128xf32, #tpu.memory_space<vmem>> -> memref<128x128xf32, #tpu.memory_space<vmem>>
      %dma_wait3A_66 = arith.constant 0 : i32
      %dma_wait3A_67 = tpu.memref_slice %arg8[%dma_wait3A_59, %dma_wait3A_60, %dma_wait3A_66] : memref<2x2x128xi32, #tpu.memory_space<vmem>> -> memref<1x1x128xi32, #tpu.memory_space<vmem>>
      %dma_wait3A_68 = tpu.memref_squeeze %dma_wait3A_67 : memref<1x1x128xi32, #tpu.memory_space<vmem>> -> memref<128xi32, #tpu.memory_space<vmem>>
      %dma_wait3A_69 = arith.constant 0 : i32
      %dma_wait3A_70 = arith.constant 0 : i32
      %dma_wait3A_71 = tpu.memref_slice %arg2[%dma_wait3A_69, %dma_wait3A_70] : memref<20000x128xf32, #tpu.memory_space<hbm>> -> memref<20000x128xf32, #tpu.memory_space<hbm>>
      tpu.wait_indirect_dma semaphore(%arg12 : memref<!tpu.dma_semaphore, #tpu.memory_space<semaphore_mem>>) src(%dma_wait3A_71 : memref<20000x128xf32, #tpu.memory_space<hbm>>) dst(%dma_wait3A_65 : memref<128x128xf32, #tpu.memory_space<vmem>>)
      %get3A = arith.constant 0 : i32
      %get3A_72 = arith.constant 1 : i32
      %get3A_73 = arith.index_cast %get3A : i32 to index
      %get3A_74 = arith.index_cast %get3A_72 : i32 to index
      %get3A_75 = arith.constant 0 : index
      %get3A_76 = tpu.vector_load %arg8[%get3A_73, %get3A_74, %get3A_75] {strides = array<i32>} : memref<2x2x128xi32, #tpu.memory_space<vmem>>, vector<16xi32>,
      tpu.vector_store_idx %arg10[%get3A_76], %broadcast_in_dim3A_3 {add = true} : memref<10240xf32, #tpu.memory_space<vmem>>[vector<16xi32>], vector<16xf32>,
      %get3A_77 = arith.constant 0 : i32
      %get3A_78 = arith.constant 1 : i32
      %get3A_79 = arith.index_cast %get3A_77 : i32 to index
      %get3A_80 = arith.index_cast %get3A_78 : i32 to index
      %get3A_81 = arith.constant 16 : index
      %get3A_82 = tpu.vector_load %arg8[%get3A_79, %get3A_80, %get3A_81] {strides = array<i32>} : memref<2x2x128xi32, #tpu.memory_space<vmem>>, vector<16xi32>,
      tpu.vector_store_idx %arg10[%get3A_82], %broadcast_in_dim3A_3 {add = true} : memref<10240xf32, #tpu.memory_space<vmem>>[vector<16xi32>], vector<16xf32>,
      %get3A_83 = arith.constant 0 : i32
      %get3A_84 = arith.constant 1 : i32
      %get3A_85 = arith.index_cast %get3A_83 : i32 to index
      %get3A_86 = arith.index_cast %get3A_84 : i32 to index
      %get3A_87 = arith.constant 32 : index
      %get3A_88 = tpu.vector_load %arg8[%get3A_85, %get3A_86, %get3A_87] {strides = array<i32>} : memref<2x2x128xi32, #tpu.memory_space<vmem>>, vector<16xi32>,
      tpu.vector_store_idx %arg10[%get3A_88], %broadcast_in_dim3A_3 {add = true} : memref<10240xf32, #tpu.memory_space<vmem>>[vector<16xi32>], vector<16xf32>,
      %get3A_89 = arith.constant 0 : i32
      %get3A_90 = arith.constant 1 : i32
      %get3A_91 = arith.index_cast %get3A_89 : i32 to index
      %get3A_92 = arith.index_cast %get3A_90 : i32 to index
      %get3A_93 = arith.constant 48 : index
      %get3A_94 = tpu.vector_load %arg8[%get3A_91, %get3A_92, %get3A_93] {strides = array<i32>} : memref<2x2x128xi32, #tpu.memory_space<vmem>>, vector<16xi32>,
      tpu.vector_store_idx %arg10[%get3A_94], %broadcast_in_dim3A_3 {add = true} : memref<10240xf32, #tpu.memory_space<vmem>>[vector<16xi32>], vector<16xf32>,
      %get3A_95 = arith.constant 0 : i32
      %get3A_96 = arith.constant 1 : i32
      %get3A_97 = arith.index_cast %get3A_95 : i32 to index
      %get3A_98 = arith.index_cast %get3A_96 : i32 to index
      %get3A_99 = arith.constant 64 : index
      %get3A_100 = tpu.vector_load %arg8[%get3A_97, %get3A_98, %get3A_99] {strides = array<i32>} : memref<2x2x128xi32, #tpu.memory_space<vmem>>, vector<16xi32>,
      tpu.vector_store_idx %arg10[%get3A_100], %broadcast_in_dim3A_3 {add = true} : memref<10240xf32, #tpu.memory_space<vmem>>[vector<16xi32>], vector<16xf32>,
      %get3A_101 = arith.constant 0 : i32
      %get3A_102 = arith.constant 1 : i32
      %get3A_103 = arith.index_cast %get3A_101 : i32 to index
      %get3A_104 = arith.index_cast %get3A_102 : i32 to index
      %get3A_105 = arith.constant 80 : index
      %get3A_106 = tpu.vector_load %arg8[%get3A_103, %get3A_104, %get3A_105] {strides = array<i32>} : memref<2x2x128xi32, #tpu.memory_space<vmem>>, vector<16xi32>,
      tpu.vector_store_idx %arg10[%get3A_106], %broadcast_in_dim3A_3 {add = true} : memref<10240xf32, #tpu.memory_space<vmem>>[vector<16xi32>], vector<16xf32>,
      %get3A_107 = arith.constant 0 : i32
      %get3A_108 = arith.constant 1 : i32
      %get3A_109 = arith.index_cast %get3A_107 : i32 to index
      %get3A_110 = arith.index_cast %get3A_108 : i32 to index
      %get3A_111 = arith.constant 96 : index
      %get3A_112 = tpu.vector_load %arg8[%get3A_109, %get3A_110, %get3A_111] {strides = array<i32>} : memref<2x2x128xi32, #tpu.memory_space<vmem>>, vector<16xi32>,
      tpu.vector_store_idx %arg10[%get3A_112], %broadcast_in_dim3A_3 {add = true} : memref<10240xf32, #tpu.memory_space<vmem>>[vector<16xi32>], vector<16xf32>,
      %get3A_113 = arith.constant 0 : i32
      %get3A_114 = arith.constant 1 : i32
      %get3A_115 = arith.index_cast %get3A_113 : i32 to index
      %get3A_116 = arith.index_cast %get3A_114 : i32 to index
      %get3A_117 = arith.constant 112 : index
      %get3A_118 = tpu.vector_load %arg8[%get3A_115, %get3A_116, %get3A_117] {strides = array<i32>} : memref<2x2x128xi32, #tpu.memory_space<vmem>>, vector<16xi32>,
      tpu.vector_store_idx %arg10[%get3A_118], %broadcast_in_dim3A_3 {add = true} : memref<10240xf32, #tpu.memory_space<vmem>>[vector<16xi32>], vector<16xf32>,
      %run_scoped3A_119 = arith.constant 0 : i32
      %run_scoped3A_120 = arith.constant 0 : i32
      %run_scoped3A_121 = arith.constant 1 : i32
      "tpu.region"() ({
        %run_scoped3A_122 = tpu.sem_alloc : memref<!tpu.dma_semaphore, #tpu.memory_space<semaphore_mem>>
        %dma_start3A_123 = arith.constant 0 : i32
        %dma_start3A_124 = arith.constant 0 : i32
        %dma_start3A_125 = tpu.memref_slice %arg9[%run_scoped3A_119, %dma_start3A_123, %dma_start3A_124] : memref<2x128x128xf32, #tpu.memory_space<vmem>> -> memref<1x128x128xf32, #tpu.memory_space<vmem>>
        %dma_start3A_126 = tpu.memref_squeeze %dma_start3A_125 : memref<1x128x128xf32, #tpu.memory_space<vmem>> -> memref<128x128xf32, #tpu.memory_space<vmem>>
        %dma_start3A_127 = arith.constant 0 : i32
        %dma_start3A_128 = tpu.memref_slice %arg8[%run_scoped3A_120, %run_scoped3A_121, %dma_start3A_127] : memref<2x2x128xi32, #tpu.memory_space<vmem>> -> memref<1x1x128xi32, #tpu.memory_space<vmem>>
        %dma_start3A_129 = tpu.memref_squeeze %dma_start3A_128 : memref<1x1x128xi32, #tpu.memory_space<vmem>> -> memref<128xi32, #tpu.memory_space<vmem>>
        %dma_start3A_130 = arith.constant 0 : i32
        %dma_start3A_131 = arith.constant 0 : i32
        %dma_start3A_132 = tpu.memref_slice %arg11[%dma_start3A_130, %dma_start3A_131] : memref<10240x128xf32, #tpu.memory_space<vmem_shared>> -> memref<10240x128xf32, #tpu.memory_space<vmem_shared>>
        tpu.enqueue_indirect_dma source(%dma_start3A_126 : memref<128x128xf32, #tpu.memory_space<vmem>>) target(%dma_start3A_132 : memref<10240x128xf32, #tpu.memory_space<vmem_shared>>) offsets(%dma_start3A_129 : memref<128xi32, #tpu.memory_space<vmem>>) semaphore(%run_scoped3A_122 : memref<!tpu.dma_semaphore, #tpu.memory_space<semaphore_mem>>) {add = true}
        %dma_wait3A_133 = arith.constant 0 : i32
        %dma_wait3A_134 = arith.constant 0 : i32
        %dma_wait3A_135 = tpu.memref_slice %arg9[%run_scoped3A_119, %dma_wait3A_133, %dma_wait3A_134] : memref<2x128x128xf32, #tpu.memory_space<vmem>> -> memref<1x128x128xf32, #tpu.memory_space<vmem>>
        %dma_wait3A_136 = tpu.memref_squeeze %dma_wait3A_135 : memref<1x128x128xf32, #tpu.memory_space<vmem>> -> memref<128x128xf32, #tpu.memory_space<vmem>>
        %dma_wait3A_137 = arith.constant 0 : i32
        %dma_wait3A_138 = tpu.memref_slice %arg8[%run_scoped3A_120, %run_scoped3A_121, %dma_wait3A_137] : memref<2x2x128xi32, #tpu.memory_space<vmem>> -> memref<1x1x128xi32, #tpu.memory_space<vmem>>
        %dma_wait3A_139 = tpu.memref_squeeze %dma_wait3A_138 : memref<1x1x128xi32, #tpu.memory_space<vmem>> -> memref<128xi32, #tpu.memory_space<vmem>>
        %dma_wait3A_140 = arith.constant 0 : i32
        %dma_wait3A_141 = arith.constant 0 : i32
        %dma_wait3A_142 = tpu.memref_slice %arg11[%dma_wait3A_140, %dma_wait3A_141] : memref<10240x128xf32, #tpu.memory_space<vmem_shared>> -> memref<10240x128xf32, #tpu.memory_space<vmem_shared>>
        tpu.wait_indirect_dma semaphore(%run_scoped3A_122 : memref<!tpu.dma_semaphore, #tpu.memory_space<semaphore_mem>>) src(%dma_wait3A_136 : memref<128x128xf32, #tpu.memory_space<vmem>>) dst(%dma_wait3A_142 : memref<10240x128xf32, #tpu.memory_space<vmem_shared>>)
        tpu.yield
      }) : () -> ()
    } else {
    }
    %barrier3A_40 = arith.constant 0 : index
    tpu.barrier barrier_id(%barrier3A_40)
    "tpu.region"() ({
      %run_scoped3A_43 = tpu.sem_alloc : memref<!tpu.dma_semaphore, #tpu.memory_space<semaphore_mem>>
      %dma_start3A_44 = arith.constant 0 : i32
      %dma_start3A_45 = tpu.memref_slice %arg6[%arg0, %mul3A_2, %dma_start3A_44] : memref<2x10240x128xf32, #tpu.memory_space<hbm>> -> memref<1x640x128xf32, #tpu.memory_space<hbm>>
      %dma_start3A_46 = tpu.memref_squeeze %dma_start3A_45 : memref<1x640x128xf32, #tpu.memory_space<hbm>> -> memref<640x128xf32, #tpu.memory_space<hbm>>
      %dma_start3A_47 = arith.constant 0 : i32
      %dma_start3A_48 = tpu.memref_slice %arg11[%mul3A_2, %dma_start3A_47] : memref<10240x128xf32, #tpu.memory_space<vmem_shared>> -> memref<640x128xf32, #tpu.memory_space<vmem_shared>>
      tpu.enqueue_dma source(%dma_start3A_48 : memref<640x128xf32, #tpu.memory_space<vmem_shared>>) target(%dma_start3A_46 : memref<640x128xf32, #tpu.memory_space<hbm>>) target_semaphore(%run_scoped3A_43 : memref<!tpu.dma_semaphore, #tpu.memory_space<semaphore_mem>>)
      %dma_wait3A_49 = arith.constant 0 : i32
      %dma_wait3A_50 = tpu.memref_slice %arg6[%arg0, %mul3A_2, %dma_wait3A_49] : memref<2x10240x128xf32, #tpu.memory_space<hbm>> -> memref<1x640x128xf32, #tpu.memory_space<hbm>>
      %dma_wait3A_51 = tpu.memref_squeeze %dma_wait3A_50 : memref<1x640x128xf32, #tpu.memory_space<hbm>> -> memref<640x128xf32, #tpu.memory_space<hbm>>
      %dma_wait3A_52 = arith.constant 0 : i32
      %dma_wait3A_53 = tpu.memref_slice %arg11[%mul3A_2, %dma_wait3A_52] : memref<10240x128xf32, #tpu.memory_space<vmem_shared>> -> memref<640x128xf32, #tpu.memory_space<vmem_shared>>
      tpu.wait_dma2 semaphore(%run_scoped3A_43 : memref<!tpu.dma_semaphore, #tpu.memory_space<semaphore_mem>>) src(%dma_wait3A_53 : memref<640x128xf32, #tpu.memory_space<vmem_shared>>) dst(%dma_wait3A_51 : memref<640x128xf32, #tpu.memory_space<hbm>>)
      tpu.yield
    }) : () -> ()
    %mul3A_41 = arith.constant 10240 : i32
    %mul3A_42 = arith.muli %add3A, %mul3A_41 : i32
    "tpu.region"() ({
      %run_scoped3A_43 = tpu.sem_alloc : memref<!tpu.dma_semaphore, #tpu.memory_space<semaphore_mem>>
      %dma_start3A_44 = tpu.memref_slice %arg7[%mul3A_42] : memref<327680xf32, #tpu.memory_space<hbm>> -> memref<10240xf32, #tpu.memory_space<hbm>>
      %dma_start3A_45 = tpu.memref_slice %arg7[%mul3A_42] : memref<327680xf32, #tpu.memory_space<hbm>> -> memref<10240xf32, #tpu.memory_space<hbm>>
      tpu.enqueue_dma source(%arg10 : memref<10240xf32, #tpu.memory_space<vmem>>) target(%dma_start3A_45 : memref<10240xf32, #tpu.memory_space<hbm>>) target_semaphore(%run_scoped3A_43 : memref<!tpu.dma_semaphore, #tpu.memory_space<semaphore_mem>>)
      %dma_wait3A_46 = tpu.memref_slice %arg7[%mul3A_42] : memref<327680xf32, #tpu.memory_space<hbm>> -> memref<10240xf32, #tpu.memory_space<hbm>>
      %dma_wait3A_47 = tpu.memref_slice %arg7[%mul3A_42] : memref<327680xf32, #tpu.memory_space<hbm>> -> memref<10240xf32, #tpu.memory_space<hbm>>
      tpu.wait_dma2 semaphore(%run_scoped3A_43 : memref<!tpu.dma_semaphore, #tpu.memory_space<semaphore_mem>>) src(%arg10 : memref<10240xf32, #tpu.memory_space<vmem>>) dst(%dma_wait3A_47 : memref<10240xf32, #tpu.memory_space<hbm>>)
      tpu.yield
    }) : () -> ()
    return
  }
}

module attributes {stable_mosaic.version = 14 : i64} {
  func.func @body(%arg0: i32, %arg1: memref<1280x256xf32, #tpu.memory_space<vmem>>, %arg2: memref<256x256xf32, #tpu.memory_space<vmem>>, %arg3: memref<256x256xf32, #tpu.memory_space<vmem>>, %arg4: memref<2x1280x128xf32, #tpu.memory_space<vmem>>, %arg5: memref<1280x32xf32, #tpu.memory_space<vmem>>, %arg6: memref<1280x256xf32, #tpu.memory_space<vmem>>) attributes {dimension_semantics = [#tpu.dimension_semantics<arbitrary>], iteration_bounds = array<i64: 8>, scalar_prefetch = 0 : i64, scratch_operands = 0 : i64, tpu.core_type = #tpu.core_type<tc>, window_params = [{transform_indices = @transform_0, window_bounds = array<i64: 1280, 256>}, {pipeline_mode = #tpu.pipeline_mode<synchronous>, transform_indices = @transform_1, window_bounds = array<i64: 256, 256>}, {pipeline_mode = #tpu.pipeline_mode<synchronous>, transform_indices = @transform_2, window_bounds = array<i64: 256, 256>}, {transform_indices = @transform_3, window_bounds = array<i64: 2, 1280, 128>}, {transform_indices = @transform_4, window_bounds = array<i64: 1280, 32>}, {transform_indices = @transform_5, window_bounds = array<i64: 1280, 256>}]} {
    %get3A = arith.constant 0 : index
    %get3A_0 = arith.constant 0 : index
    %get3A_1 = vector.load %arg5[%get3A, %get3A_0] : memref<1280x32xf32, #tpu.memory_space<vmem>>, vector<1280x32xf32>
    %reduce_sum3A = arith.constant dense<0.000000e+00> : vector<1280xf32>
    %reduce_sum3A_2 = vector.multi_reduction <add>, %get3A_1, %reduce_sum3A [1] : vector<1280x32xf32> to vector<1280xf32>
    %broadcast_in_dim3A = vector.shape_cast %reduce_sum3A_2 : vector<1280xf32> to vector<1280x1xf32>
    %mul3A = arith.constant 5.000000e-01 : f32
    %mul3A_3 = vector.broadcast %mul3A : f32 to vector<1280x1xf32>
    %mul3A_4 = arith.mulf %broadcast_in_dim3A, %mul3A_3 : vector<1280x1xf32>
    %max3A = arith.constant 1.000000e+00 : f32
    %max3A_5 = vector.broadcast %max3A : f32 to vector<1280x1xf32>
    %max3A_6 = arith.maximumf %mul3A_4, %max3A_5 : vector<1280x1xf32>
    %gt3A = arith.constant 0.000000e+00 : f32
    %gt3A_7 = vector.broadcast %gt3A : f32 to vector<1280x1xf32>
    %gt3A_8 = arith.cmpf ogt, %mul3A_4, %gt3A_7 : vector<1280x1xf32>
    %get3A_9 = arith.constant 0 : index
    %get3A_10 = arith.constant 0 : index
    %get3A_11 = arith.constant 0 : index
    %get3A_12 = vector.load %arg4[%get3A_9, %get3A_10, %get3A_11] : memref<2x1280x128xf32, #tpu.memory_space<vmem>>, vector<1x1280x128xf32>
    %get3A_13 = vector.shape_cast %get3A_12 : vector<1x1280x128xf32> to vector<1280x128xf32>
    %div3A = vector.broadcast %max3A_6 : vector<1280x1xf32> to vector<1280x128xf32>
    %div3A_14 = arith.divf %get3A_13, %div3A : vector<1280x128xf32>
    %jit3A = arith.constant 0.000000e+00 : f32
    %broadcast_in_dim3A_15 = vector.shape_cast %gt3A_8 : vector<1280x1xi1> to vector<1280x1xi1>
    %broadcast_in_dim3A_16 = vector.broadcast %broadcast_in_dim3A_15 : vector<1280x1xi1> to vector<1280x128xi1>
    %broadcast_in_dim3A_17 = vector.broadcast %jit3A : f32 to vector<1280x128xf32>
    %select_n3A = arith.select %broadcast_in_dim3A_16, %div3A_14, %broadcast_in_dim3A_17 : vector<1280x128xi1>, vector<1280x128xf32>
    %get3A_18 = arith.constant 1 : index
    %get3A_19 = arith.constant 0 : index
    %get3A_20 = arith.constant 0 : index
    %get3A_21 = vector.load %arg4[%get3A_18, %get3A_19, %get3A_20] : memref<2x1280x128xf32, #tpu.memory_space<vmem>>, vector<1x1280x128xf32>
    %get3A_22 = vector.shape_cast %get3A_21 : vector<1x1280x128xf32> to vector<1280x128xf32>
    %div3A_23 = vector.broadcast %max3A_6 : vector<1280x1xf32> to vector<1280x128xf32>
    %div3A_24 = arith.divf %get3A_22, %div3A_23 : vector<1280x128xf32>
    %jit3A_25 = arith.constant 0.000000e+00 : f32
    %broadcast_in_dim3A_26 = vector.shape_cast %gt3A_8 : vector<1280x1xi1> to vector<1280x1xi1>
    %broadcast_in_dim3A_27 = vector.broadcast %broadcast_in_dim3A_26 : vector<1280x1xi1> to vector<1280x128xi1>
    %broadcast_in_dim3A_28 = vector.broadcast %jit3A_25 : f32 to vector<1280x128xf32>
    %select_n3A_29 = arith.select %broadcast_in_dim3A_27, %div3A_24, %broadcast_in_dim3A_28 : vector<1280x128xi1>, vector<1280x128xf32>
    %get3A_30 = arith.constant 0 : index
    %get3A_31 = arith.constant 0 : index
    %get3A_32 = vector.load %arg1[%get3A_30, %get3A_31] : memref<1280x256xf32, #tpu.memory_space<vmem>>, vector<1280x256xf32>
    %get3A_33 = arith.constant 0 : index
    %get3A_34 = arith.constant 0 : index
    %get3A_35 = vector.load %arg2[%get3A_33, %get3A_34] : memref<256x256xf32, #tpu.memory_space<vmem>>, vector<256x256xf32>
    %dot_general3A = arith.constant dense<0.000000e+00> : vector<1280x256xf32>
    %dot_general3A_36 = tpu.matmul %get3A_32, %get3A_35, %dot_general3A {dimension_numbers = #tpu.dot_dimension_numbers<[1], [0], [0], [1], [0, 0, 1, 1], [], []>, transpose_lhs_hint = false} : vector<1280x256xf32>, vector<256x256xf32>, vector<1280x256xf32> -> vector<1280x256xf32>
    %get3A_37 = arith.constant 0 : index
    %get3A_38 = arith.constant 0 : index
    %get3A_39 = vector.load %arg3[%get3A_37, %get3A_38] : memref<256x256xf32, #tpu.memory_space<vmem>>, vector<128x256xf32>
    %dot_general3A_40 = arith.constant dense<0.000000e+00> : vector<1280x256xf32>
    %dot_general3A_41 = tpu.matmul %select_n3A, %get3A_39, %dot_general3A_40 {dimension_numbers = #tpu.dot_dimension_numbers<[1], [0], [0], [1], [0, 0, 1, 1], [], []>, transpose_lhs_hint = false} : vector<1280x128xf32>, vector<128x256xf32>, vector<1280x256xf32> -> vector<1280x256xf32>
    %add3A = arith.addf %dot_general3A_36, %dot_general3A_41 : vector<1280x256xf32>
    %get3A_42 = arith.constant 128 : index
    %get3A_43 = arith.constant 0 : index
    %get3A_44 = vector.load %arg3[%get3A_42, %get3A_43] : memref<256x256xf32, #tpu.memory_space<vmem>>, vector<128x256xf32>
    %dot_general3A_45 = arith.constant dense<0.000000e+00> : vector<1280x256xf32>
    %dot_general3A_46 = tpu.matmul %select_n3A_29, %get3A_44, %dot_general3A_45 {dimension_numbers = #tpu.dot_dimension_numbers<[1], [0], [0], [1], [0, 0, 1, 1], [], []>, transpose_lhs_hint = false} : vector<1280x128xf32>, vector<128x256xf32>, vector<1280x256xf32> -> vector<1280x256xf32>
    %add3A_47 = arith.addf %add3A, %dot_general3A_46 : vector<1280x256xf32>
    %swap3A = arith.constant 0 : index
    %swap3A_48 = arith.constant 0 : index
    %swap3A_49 = vector.load %arg6[%swap3A, %swap3A_48] : memref<1280x256xf32, #tpu.memory_space<vmem>>, vector<1280x256xf32>
    tpu.vector_store %arg6[%swap3A, %swap3A_48], %add3A_47 {strides = array<i32>} : memref<1280x256xf32, #tpu.memory_space<vmem>>, vector<1280x256xf32>,
    return
  }
  func.func @transform_0(%arg0: i32) -> (i32, i32) {
    %c0_i32 = arith.constant 0 : i32
    %c0_i32_0 = arith.constant 0 : i32
    return %arg0, %c0_i32 : i32, i32
  }
  func.func @transform_1(%arg0: i32) -> (i32, i32) {
    %c0_i32 = arith.constant 0 : i32
    %c0_i32_0 = arith.constant 0 : i32
    %c0_i32_1 = arith.constant 0 : i32
    return %c0_i32, %c0_i32_0 : i32, i32
  }
  func.func @transform_2(%arg0: i32) -> (i32, i32) {
    %c0_i32 = arith.constant 0 : i32
    %c0_i32_0 = arith.constant 0 : i32
    %c0_i32_1 = arith.constant 0 : i32
    return %c0_i32, %c0_i32_0 : i32, i32
  }
  func.func @transform_3(%arg0: i32) -> (i32, i32, i32) {
    %c0_i32 = arith.constant 0 : i32
    %c0_i32_0 = arith.constant 0 : i32
    %c0_i32_1 = arith.constant 0 : i32
    return %c0_i32, %arg0, %c0_i32_0 : i32, i32, i32
  }
  func.func @transform_4(%arg0: i32) -> (i32, i32) {
    %c0_i32 = arith.constant 0 : i32
    %c0_i32_0 = arith.constant 0 : i32
    return %arg0, %c0_i32 : i32, i32
  }
  func.func @transform_5(%arg0: i32) -> (i32, i32) {
    %c0_i32 = arith.constant 0 : i32
    %c0_i32_0 = arith.constant 0 : i32
    return %arg0, %c0_i32 : i32, i32
  }
}

</mosaic_0001>

<sc_bundles>
// kernel: kernel.4.cloned.1.call-start
scs
__scs_entry_jumppad:
0x0: {  	(pc) =	sbr.rel $0x88, $3  }
0x1: {  	(tag) =	ssettag $0x0;
	lr =	simm.s32 $0x1  }
0x2: {  	[smem:$0x3F9D] =	sst lr;
	_ =	strace $0xD0000000  }
0x3: {  	_ = 	snop  }
0x4: {  	_ = 	snop  }
0x5: {  	_ = 	snop  }
0x6: {  	_ = 	snop  }
0x7: {  	_ = 	snop  }
__scs_overlays_trampoline_lowered:
0x8: {  	[smem:$0x3FAC] =	sst s0  }
0x9: {  	[smem:$0x3FAD] =	sst s1  }
0xa: {  	[smem:$0x3FAE] =	sst s2  }
0xb: {  	[smem:$0x3FAF] =	sst s3  }
0xc: {  	[smem:$0x3FB0] =	sst s4  }
0xd: {  	[smem:$0x3FB1] =	sst s5  }
0xe: {  	[smem:$0x3FB2] =	sst s6  }
0xf: {  	[smem:$0x3FB3] =	sst s7  }
0x10: {  	[smem:$0x3FB4] =	sst s8  }
0x11: {  	[smem:$0x3FB5] =	sst s9;
	s0 =	simm.s32 @!p0 $0x0  }
0x12: {  	s1 =	sld [smem:$0x3F9B];
	s0 =	simm.s32 @p0 $0x1  }
0x13: {  	[smem:$0x3FB6] =	sst s0;
	s0 =	simm.s32 @!p1 $0x0  }
0x14: {  	s2 =	sld [smem:$0x3F9A];
	s0 =	simm.s32 @p1 $0x1  }
0x15: {  	[smem:$0x3FB7] =	sst s0;
	s0 =	simm.s32 @!p2 $0x0  }
0x16: {  	s3 =	sld [smem:$0x3FDB];
	s0 =	simm.s32 @p2 $0x1  }
0x17: {  	s4 =	simm.s32 $0x1BF5;
	[smem:$0x3FB9] =	sst s0  }
0x18: {  	s0 =	sld [smem:$0x3F9C];
	_ =	swait.ge [sflag:s4], $0x0  }
0x19: {  	s7 =	sld [smem:$0x3F9D]  }
0x1a: {  	s8 =	sadd.s32 $0xFFFFE003, lr  }
0x1b: {  	s9 =	sadd.s32 $0xFFFFFEF7, lr;
	s5 =	simm.s32 $0xFFFFFFFF;
	p2 =	slt.u32 s8, $0xFFFFF086  }
0x1c: {  	p1 =	slt.u32 s9, $0xF7A;
	s5 =	simm.s32 @!p2 $0x0  }
0x1d: {  	s5 =	simm.s32 @p1 $0x1;
	p0 =	seq.s32 s7, s2  }
0x1e: {  	s7 =	smul.u32 @!p0 $0xF7A, s2;
	p2 =	seq.s32 @!p0 s5, $0x0  }
0x1f: {  	s9 =	smul.u32 $0xF7A, s1;
	s8 =	simm.s32 @!p0 $0x1BF5;
	p2 =	por !p2, p0  }
0x20: {  	[sflag:s8] =	ssyncset.s32 @!p0 $0xFFFFF086;
	s6 =	sadd.s32 @!p0 s3, s7;
	s7 =	simm.s32 @!p0 $0x108  }
0x21: {  	s3 =	sadd.s32 s3, s9;
	s6 =	sadd.s32 @!p0 $0x88, s6;
	s7 =	simm.s32 @p2 $0x1082  }
0x22: {  	[simem:s7], [sflag:s8] =	dma.local @!p0 [hbm:s6], $0xF7A  }
0x23: {  	s9 =	sor.u32 $0xD0000000, s2;
	s6 =	simm.s32 $0x108;
	_ =	swait.ge @!p0 [sflag:s8], $0x0  }
0x24: {  	s3 =	sadd.s32 $0x88, s3;
	s6 =	simm.s32 @!p1 $0x1082;
	[sflag:s4] =	ssyncset.s32 $0xFFFFF086  }
0x25: {  	[simem:s6], [sflag:s4] =	dma.local [hbm:s3], $0xF7A  }
0x26: {  	[smem:$0x3F9D] =	sst s1;
	(tag) =	ssettag s2;
	_ =	strace s9  }
0x27: {  	s1 =	sld [smem:$0x3FAD]  }
0x28: {  	s2 =	sld [smem:$0x3FAE]  }
0x29: {  	s4 =	sld [smem:$0x3FB0]  }
0x2a: {  	p0 =	seq.s32 s5, $0x0;
	s5 =	sld [smem:$0x3FB1]  }
0x2b: {  	s6 =	sld [smem:$0x3FB2]  }
0x2c: {  	s7 =	sld [smem:$0x3FB3]  }
0x2d: {  	s3 =	simm.s32 $0x108;
	s8 =	sld [smem:$0x3FB4]  }
0x2e: {  	s3 =	simm.s32 @!p0 $0x1082;
	s9 =	sld [smem:$0x3FB5]  }
0x2f: {  	lr =	sadd.s32 s0, s3;
	s0 =	sld [smem:$0x3FAC]  }
0x30: {  	s3 =	sld [smem:$0x3FAF]  }
0x31: {  	[smem:$0x3FB8] =	sst s10  }
0x32: {  	s10 =	sld [smem:$0x3FB6];
	_ =	sdelay $0x3  }
0x33: {  	p0 =	seq.s32 s10, $0x1;
	s10 =	sld [smem:$0x3FB8];
	_ =	sdelay $0x3  }
0x34: {  	[smem:$0x3FB8] =	sst s10  }
0x35: {  	s10 =	sld [smem:$0x3FB7];
	_ =	sdelay $0x3  }
0x36: {  	p1 =	seq.s32 s10, $0x1;
	s10 =	sld [smem:$0x3FB8];
	_ =	sdelay $0x3  }
0x37: {  	[smem:$0x3FB8] =	sst s10  }
0x38: {  	s10 =	sld [smem:$0x3FB9]  }
0x39: {  	_ = 	snop;
	(pc) =	sbr.ind lr, $3  }
0x3a: {  	_ = 	snop  }
0x3b: {  	_ = 	snop  }
0x3c: {  	p2 =	seq.s32 s10, $0x1;
	s10 =	sld [smem:$0x3FB8]  }
0x3d: {  	_ =	shalt  }
0x3e: {  	_ =	shalt  }
0x3f: {  	_ =	shalt  }
0x40: {  	_ =	shalt  }
0x41: {  	_ =	shalt  }
0x42: {  	_ =	shalt  }
0x43: {  	_ =	shalt  }
0x44: {  	_ =	shalt  }
0x45: {  	_ =	shalt  }
0x46: {  	_ =	shalt  }
0x47: {  	_ =	shalt  }
0x48: {  	_ =	shalt  }
0x49: {  	_ =	shalt  }
0x4a: {  	_ =	shalt  }
0x4b: {  	_ =	shalt  }
0x4c: {  	_ =	shalt  }
0x4d: {  	_ =	shalt  }
0x4e: {  	_ =	shalt  }
0x4f: {  	_ =	shalt  }
0x50: {  	_ =	shalt  }
0x51: {  	_ =	shalt  }
0x52: {  	_ =	shalt  }
0x53: {  	_ =	shalt  }
0x54: {  	_ =	shalt  }
0x55: {  	_ =	shalt  }
0x56: {  	_ =	shalt  }
0x57: {  	_ =	shalt  }
0x58: {  	_ =	shalt  }
0x59: {  	_ =	shalt  }
0x5a: {  	_ =	shalt  }
0x5b: {  	_ =	shalt  }
0x5c: {  	_ =	shalt  }
0x5d: {  	_ =	shalt  }
0x5e: {  	_ =	shalt  }
0x5f: {  	_ =	shalt  }
0x60: {  	_ =	shalt  }
0x61: {  	_ =	shalt  }
0x62: {  	_ =	shalt  }
0x63: {  	_ =	shalt  }
0x64: {  	_ =	shalt  }
0x65: {  	_ =	shalt  }
0x66: {  	_ =	shalt  }
0x67: {  	_ =	shalt  }
0x68: {  	_ =	shalt  }
0x69: {  	_ =	shalt  }
0x6a: {  	_ =	shalt  }
0x6b: {  	_ =	shalt  }
0x6c: {  	_ =	shalt  }
0x6d: {  	_ =	shalt  }
0x6e: {  	_ =	shalt  }
0x6f: {  	_ =	shalt  }
0x70: {  	_ =	shalt  }
0x71: {  	_ =	shalt  }
0x72: {  	_ =	shalt  }
0x73: {  	_ =	shalt  }
0x74: {  	_ =	shalt  }
0x75: {  	_ =	shalt  }
0x76: {  	_ =	shalt  }
0x77: {  	_ =	shalt  }
0x78: {  	_ =	shalt  }
0x79: {  	_ =	shalt  }
0x7a: {  	_ =	shalt  }
0x7b: {  	_ =	shalt  }
0x7c: {  	_ =	shalt  }
0x7d: {  	_ =	shalt  }
0x7e: {  	_ =	shalt  }
0x7f: {  	_ =	shalt  }
0x80: {  	_ =	shalt  }
0x81: {  	_ =	shalt  }
0x82: {  	_ =	shalt  }
0x83: {  	_ =	shalt  }
0x84: {  	_ =	shalt  }
0x85: {  	_ =	shalt  }
0x86: {  	_ =	shalt  }
0x87: {  	_ =	shalt  }
.Lfunc_end0:
.L_simem_size_0:
called_computation_lowered:
.L_overlay_start_0:
0x88: {  	s2 =	sld [smem:$0x3FD9]  }
0x89: {  	s3 =	sld [smem:$0x3FFE];
	_ =	sdelay $0x1  }
0x8a: {  	s1 =	srdreg.scid  }
0x8b: {  	s0 =	sand.u32 $0x1, s1  }
0x8c: {  	s17 =	sshll.u32 s0, $0xA;
	s2 =	sadd.s32 s3, s2  }
0x8d: {  	s2 =	sadd.s32 s2, s17  }
0x8e: {  	[smem:$0x3FC4] =	sst s2  }
0x8f: {  	_ = 	snop  }
0x90: {  	s2 =	sld [smem:$0x3FD0];
	(tm) =	ssettm $0x1  }
0x91: {  	s18 =	sld [smem:$0x3FFB];
	_ =	sdelay $0x3  }
0x92: {  	_ =	strace s18  }
0x93: {  	s3 =	sld [smem:$0x3FFC];
	_ =	sdelay $0x3  }
0x94: {  	_ =	strace s3  }
0x95: {  	s3 =	sld [smem:$0x3FFD];
	_ =	sdelay $0x3  }
0x96: {  	_ =	strace s3  }
0x97: {  	_ =	strace $0x8FFFFFFF  }
0x98: {  	s19 =	sld [smem:$0x3FDB];
	_ =	sdelay $0x1  }
0x99: {  	s4 =	simm.s32 $_scs_section_size  }
0x9a: {  	s5 =	simm.s32 $_size__tile_overlayer_lowered;
	s6 =	simm.s32 $_tile_overlayer_lowered  }
0x9b: {  	s22 =	simm.s32 $0x1BFF;
	s21 =	sshll.u32 s6, $0x1;
	s3 =	sadd.s32 s4, s19  }
0x9c: {  	s7 =	simm.s32 $0x0;
	s20 =	sshll.u32 s5, $0x1;
	s5 =	sadd.s32 s21, s3  }
0x9d: {  	[timem:s7], [sflag:s22] =	dma.local [hbm:s5], s20  }
0x9e: {  	_ =	swait.ge [sflag:s22], s20  }
0x9f: {  	s4 =	ssub.s32 $0x0, s20;
	[sflag:s22] =	ssyncset.done $0x0  }
0xa0: {  	[sflag:s22] =	ssyncadd.s32 s4;
	_ =	sdelay $0x1  }
0xa1: {  	s23 =	simm.s32 $0x1B8B  }
0xa2: {  	_ =	swait.ge [sflag:s23], $0x1  }
0xa3: {  	[sflag:s23] =	ssyncset.done $0x0  }
0xa4: {  	s25 =	simm.s32 $0x1B8E;
	s24 =	sld [smem:$0x3FFE];
	[sflag:s23] =	ssyncadd.s32 $0xFFFFFFFF  }
0xa5: {  	s26 =	simm.s32 $execute0_lowered;
	[smem:$0x3FD2] =	sst s25  }
0xa6: {  	s5 =	sshll.u32 s26, $0x1;
	_ =	strace $0x80000046;
	[dreg:$0x1] =	wrdreg $0xFFFFFFFF  }
0xa7: {  	s28 =	simm.s32 $_size_execute0_lowered;
	s3 =	sadd.s32 s3, s5;
	[dreg:$0x0] =	wrdreg $0x0  }
0xa8: {  	s5 =	sshll.u32 s28, $0x1;
	[dreg:$0x2] =	wrdreg s3  }
0xa9: {  	[dreg:$0x3] =	wrdreg s5  }
0xaa: {  	[dreg:$0x4] =	wrdreg $0xC0  }
0xab: {  	_ =	task [dreg:s7], $0x5FFFF  }
0xac: {  	[dreg:$0x1] =	wrdreg $0xFFFFFFFF  }
0xad: {  	[dreg:$0x0] =	wrdreg $0x60  }
0xae: {  	[dreg:$0x2] =	wrdreg s2  }
0xaf: {  	[dreg:$0x3] =	wrdreg s24  }
0xb0: {  	[dreg:$0x4] =	wrdreg $0xAA000  }
0xb1: {  	[dreg:$0x5] =	wrdreg $0x9  }
0xb2: {  	_ =	task.clear_ibuf [dreg:s7], $0x6FFFF;
	_ =	strace $0x90000046  }
0xb3: {  	s29 =	simm.s32 $0x9;
	_ =	strace $0x80000048  }
0xb4: {  	_ =	swait.ge [sflag:s29], $0x1  }
0xb5: {  	[sflag:s29] =	ssyncadd.s32 $0xFFFFFFFF  }
0xb6: {  	_ =	strace $0x90000048  }
0xb7: {  	_ =	sfence  }
0xb8: {  	s30 =	sld [smem:$0x0];
	_ =	sdelay $0x2  }
0xb9: {  	s31 =	sshll.u32 s1, $0xD;
	s1 =	sshrl.u32 s1, $0x2  }
0xba: {  	s3 =	sand.u32 $0x4000, s31;
	s1 =	sadd.s32 s1, s30  }
0xbb: {  	s0 =	sor.u32 s3, s0;
	s1 =	sshll.u32 s1, $0x11  }
0xbc: {  	s0 =	sor.u32 s1, s0  }
0xbd: {  	s0 =	sadd.s32 $0x8F2B, s0  }
0xbe: {  	[sflag:s0] =	ssyncadd.remote.s32 $0x1  }
0xbf: {  	_ =	sfence.sel $0xFFFF  }
0xc0: {  	[dreg:$0x0] =	wrdreg $0xFFFFFFFF;
	(pc) =	sbr.abs _section_cstart, $3  }
0xc1: {  	[dreg:$0x1] =	wrdreg $0xFFFFFFFF  }
0xc2: {  	_ =	task.clear_ibuf [dreg:s7], $0x2FFFF;
	_ =	strace $0x9FFFFFFF  }
0xc3: {  	(tm) =	ssettm $0x7FFFFFFF  }
tec
execute0_lowered:
.L_overlay_start_1:
0x0: {  	(tag) =	ssettag $0x1  }
0x1: {  	s1 =	rddreg [dreg:$0x0]  }
0x2: {  	s8 =	rddreg [dreg:$0x1]  }
0x3: {  	s2 =	rddreg [dreg:$0x2]  }
0x4: {  	s3 =	srdreg.scid;
	s4 =	simm.s32 $0x0;
	s0 =	stileid.u32  }
0x5: {  	s19 =	simm.s32 $0x3;
	s20 =	simm.s32 $0x8200;
	s21 =	simm.s32 $0x80  }
0x6: {  	s22 =	simm.s32 $0x200;
	s28 =	simm.s32 $0x180;
	s29 =	simm.s32 $0x0  }
0x7: {  	s9 =	sand.u32 $0x1, s3;
	[smem:$0x7FF] =	sst s4;
	s7 =	smul.u32 $0x14000, s0  }
0x8: {  	s5 =	sadd.s32 $0x1C00, s8;
	s23 =	smul.u32 $0x50000, s0;
	s14 =	sshll.u32 s0, $0x8  }
0x9: {  	s30 =	sshll.u32 s0, $0x6;
	p0 =	sgt.u32 s0, $0x1;
	s6 =	smul.u32 $0x140000, s9  }
0xa: {  	_ =	strace $0x80000047;
	s10 =	sshll.u32 s9, $0x4;
	s24 =	ssub.s32 $0x2, s9  }
0xb: {  	s9 =	smul.u32 $0x4E200, s9;
	s10 =	sor.u32 s0, s10;
	s25 =	sshrl.u32 s24, $0x1  }
0xc: {  	s7 =	sadd.s32 s7, s6;
	s6 =	sadd.s32 $0x15C00, s8;
	s10 =	smul.u32 $0x500, s10  }
0xd: {  	s15 =	ssub.s32 s24, s25;
	s26 =	sadd.s32 s14, s9;
	s24 =	simm.s32 $0x4200  }
0xe: {  	s25 =	simm.s32 $0x1;
	s11 =	sshrl.u32 s7, $0x3;
	s7 =	sadd.s32 $0x15600, s8  }
0xf: {  	s9 =	sshrl.u32 s26, $0x3;
	s31 =	sadd.s32 $0x4E000, s26;
	s14 =	sadd.s32 $0x1000, s26  }
0x10: {  	s15 =	smax.u32 s15, $0x1;
	s12 =	sadd.s32 s11, s8;
	s13 =	sadd.s32 s10, s8  }
0x11: {  	s11 =	sshrl.u32 s23, $0x2;
	s8 =	sor.u32 $0x1C03, s30;
	s9 =	sadd.s32 s5, s9  }
0x12: {  	s10 =	sshrl.u32 s31, $0x3;
	s14 =	sshrl.u32 s14, $0x3;
	s23 =	simm.s32 $0x100  }
0x13: {  	s18 =	sadd.s32 s11, s2;
	s10 =	sadd.s32 s5, s10;
	s11 =	sadd.s32 $0x2000, s26  }
0x14: {  	s12 =	sadd.s32 $0x22400, s12;
	s13 =	sadd.s32 $0x18400, s13;
	s16 =	sshrl.u32 s11, $0x3  }
0x15: {  	s14 =	sadd.s32 s5, s14;
	s26 =	simm.s32 $0x2;
	s17 =	sadd.s32 s5, s16  }
0x16: {  	v0 =	vimm.f32 $1.000000000e+00;
	s18 =	sshrl.u32 s18, $0x3;
	s16 =	sadd.s32 $0x9800, s14;
	s17 =	sadd.s32 $0x9600, s17  }
.LBB2_1:
0x17: {  	[spmem:s18], [sflag:s8] =	dma.local [hbm:s6], $0x2800  }
0x18: {  	_ =	swait.ge [sflag:s19], $0x2800  }
0x19: {  	[sflag:s19] =	ssyncset.done $0x0  }
0x1a: {  	[sflag:s19] =	ssyncadd.s32 $0xFFFFD800  }
0x1b: {  	[tilespmem:s20], [sflag:$0x3] =	stream.linear.gather [hbm4b:s7+s4], $0x2800, $0x38;
	[tilespmem:$0x1EA00] =	vst v63  }
0x1c: {  	_ =	swait.ge [sflag:s19], $0x2800  }
0x1d: {  	[sflag:s19] =	ssyncset.done $0x0  }
0x1e: {  	[sflag:s19] =	ssyncadd.s32 $0xFFFFD800  }
0x1f: {  	[bflag:$0x0] =	sbarrier.arrive $0xFFFF  }
0x20: {  	[tilespmem:s4], [sflag:$0x3] =	stream.linear.gather [hbm4b:s9+s4], $0x100, $0x38;
	[tilespmem:$0x1EA00] =	vst v63  }
0x21: {  	_ =	swait.ge [sflag:s19], $0x100  }
0x22: {  	[sflag:s19] =	ssyncset.done $0x0  }
0x23: {  	s30 =	smov.u32 s11;
	s31 =	simm.s32 $0x0;
	[sflag:s19] =	ssyncadd.s32 $0xFFFFFF00  }
0x24: {  	[tilespmem:s22], [sflag:$0x1] =	stream.indirect.gather [hbm4b:s1+s21], $0x80, s4, s21, $0xb8;
	[tilespmem:$0x1EA00] =	vst v63  }
.LBB2_2:
0x25: {  	s0 =	sadd.s32 s31, s14  }
0x26: {  	[tilespmem:s23], [sflag:$0x3] =	stream.linear.gather [hbm4b:s0+s4], $0x100, $0x38;
	[tilespmem:$0x1EA00] =	vst v63  }
0x27: {  	_ =	swait.ge [sflag:s19], $0x100  }
0x28: {  	[sflag:s19] =	ssyncset.done $0x0  }
0x29: {  	[sflag:s19] =	ssyncadd.s32 $0xFFFFFF00  }
0x2a: {  	[tilespmem:s24], [sflag:$0x2] =	stream.indirect.gather [hbm4b:s1+s21], $0x80, s23, s21, $0xb8;
	[tilespmem:$0x1EA00] =	vst v63  }
0x2b: {  	v1 =	vld [tilespmem:$0x80];
	_ =	sdelay $0x7  }
0x2c: {  	[tilespmem:v1+s20+$0x0] =	vst.idx.add.f32.msk $0xffff, v0  }
0x2d: {  	v1 =	vld [tilespmem:$0x90];
	_ =	sdelay $0x7  }
0x2e: {  	[tilespmem:v1+s20+$0x0] =	vst.idx.add.f32.msk $0xffff, v0  }
0x2f: {  	v1 =	vld [tilespmem:$0xA0];
	_ =	sdelay $0x7  }
0x30: {  	[tilespmem:v1+s20+$0x0] =	vst.idx.add.f32.msk $0xffff, v0  }
0x31: {  	v1 =	vld [tilespmem:$0xB0];
	_ =	sdelay $0x7  }
0x32: {  	[tilespmem:v1+s20+$0x0] =	vst.idx.add.f32.msk $0xffff, v0  }
0x33: {  	v1 =	vld [tilespmem:$0xC0];
	_ =	sdelay $0x7  }
0x34: {  	[tilespmem:v1+s20+$0x0] =	vst.idx.add.f32.msk $0xffff, v0  }
0x35: {  	v1 =	vld [tilespmem:$0xD0];
	_ =	sdelay $0x7  }
0x36: {  	[tilespmem:v1+s20+$0x0] =	vst.idx.add.f32.msk $0xffff, v0  }
0x37: {  	v1 =	vld [tilespmem:$0xE0];
	_ =	sdelay $0x7  }
0x38: {  	[tilespmem:v1+s20+$0x0] =	vst.idx.add.f32.msk $0xffff, v0  }
0x39: {  	v1 =	vld [tilespmem:$0xF0];
	_ =	sdelay $0x7  }
0x3a: {  	[tilespmem:v1+s20+$0x0] =	vst.idx.add.f32.msk $0xffff, v0  }
0x3b: {  	_ =	swait.ge [sflag:s25], $0x4000  }
0x3c: {  	[sflag:s25] =	ssyncset.done $0x0  }
0x3d: {  	[sflag:s25] =	ssyncadd.s32 $0xFFFFC000  }
0x3e: {  	[spmem:s2] =	stream.indirect.scatter.add.f32 [tilespmem:s22], [sflag:$0x3], $0x80, s21, s21, $0xb8;
	[tilespmem:$0x1EA00] =	vst v63  }
0x3f: {  	_ =	swait.ge [sflag:s19], $0x4000  }
0x40: {  	s3 =	sshrl.u32 s30, $0x3;
	[sflag:s19] =	ssyncset.done $0x0  }
0x41: {  	s0 =	sadd.s32 s5, s3;
	[sflag:s19] =	ssyncadd.s32 $0xFFFFC000  }
0x42: {  	[tilespmem:s4], [sflag:$0x3] =	stream.linear.gather [hbm4b:s0+s4], $0x100, $0x38;
	[tilespmem:$0x1EA00] =	vst v63  }
0x43: {  	_ =	swait.ge [sflag:s19], $0x100  }
0x44: {  	[sflag:s19] =	ssyncset.done $0x0  }
0x45: {  	[sflag:s19] =	ssyncadd.s32 $0xFFFFFF00  }
0x46: {  	[tilespmem:s22], [sflag:$0x1] =	stream.indirect.gather [hbm4b:s1+s21], $0x80, s4, s21, $0xb8;
	[tilespmem:$0x1EA00] =	vst v63  }
0x47: {  	v1 =	vld [tilespmem:$0x180];
	_ =	sdelay $0x7  }
0x48: {  	[tilespmem:v1+s20+$0x0] =	vst.idx.add.f32.msk $0xffff, v0  }
0x49: {  	v1 =	vld [tilespmem:$0x190];
	_ =	sdelay $0x7  }
0x4a: {  	[tilespmem:v1+s20+$0x0] =	vst.idx.add.f32.msk $0xffff, v0  }
0x4b: {  	v1 =	vld [tilespmem:$0x1A0];
	_ =	sdelay $0x7  }
0x4c: {  	[tilespmem:v1+s20+$0x0] =	vst.idx.add.f32.msk $0xffff, v0  }
0x4d: {  	v1 =	vld [tilespmem:$0x1B0];
	_ =	sdelay $0x7  }
0x4e: {  	[tilespmem:v1+s20+$0x0] =	vst.idx.add.f32.msk $0xffff, v0  }
0x4f: {  	v1 =	vld [tilespmem:$0x1C0];
	_ =	sdelay $0x7  }
0x50: {  	[tilespmem:v1+s20+$0x0] =	vst.idx.add.f32.msk $0xffff, v0  }
0x51: {  	v1 =	vld [tilespmem:$0x1D0];
	_ =	sdelay $0x7  }
0x52: {  	[tilespmem:v1+s20+$0x0] =	vst.idx.add.f32.msk $0xffff, v0  }
0x53: {  	v1 =	vld [tilespmem:$0x1E0];
	_ =	sdelay $0x7  }
0x54: {  	[tilespmem:v1+s20+$0x0] =	vst.idx.add.f32.msk $0xffff, v0  }
0x55: {  	v1 =	vld [tilespmem:$0x1F0];
	_ =	sdelay $0x7  }
0x56: {  	[tilespmem:v1+s20+$0x0] =	vst.idx.add.f32.msk $0xffff, v0  }
0x57: {  	_ =	swait.ge [sflag:s26], $0x4000  }
0x58: {  	p1 =	sne.s32 s31, $0x9400;
	[sflag:s26] =	ssyncset.done $0x0  }
.Ltmp0:
0x59: {  	[sflag:s26] =	ssyncadd.s32 $0xFFFFC000;
	(pc) =	sbr.rel @p1 .LBB2_2-.Ltmp0, $4  }
0x5a: {  	[spmem:s2] =	stream.indirect.scatter.add.f32 [tilespmem:s24], [sflag:$0x3], $0x80, s28, s21, $0xb8;
	[tilespmem:$0x1EA00] =	vst v63  }
0x5b: {  	_ =	swait.ge [sflag:s19], $0x4000  }
0x5c: {  	[sflag:s19] =	ssyncset.done $0x0  }
0x5d: {  	s30 =	sadd.s32 $0x2000, s30;
	s31 =	sadd.s32 $0x400, s31;
	[sflag:s19] =	ssyncadd.s32 $0xFFFFC000  }
0x5e: {  	[tilespmem:s23], [sflag:$0x3] =	stream.linear.gather [hbm4b:s16+s4], $0x100, $0x38;
	[tilespmem:$0x1EA00] =	vst v63  }
0x5f: {  	_ =	swait.ge [sflag:s19], $0x100  }
0x60: {  	[sflag:s19] =	ssyncset.done $0x0  }
0x61: {  	[sflag:s19] =	ssyncadd.s32 $0xFFFFFF00  }
0x62: {  	[tilespmem:s24], [sflag:$0x2] =	stream.indirect.gather [hbm4b:s1+s21], $0x80, s23, s21, $0xb8;
	[tilespmem:$0x1EA00] =	vst v63  }
0x63: {  	v1 =	vld [tilespmem:$0x80];
	_ =	sdelay $0x7  }
0x64: {  	[tilespmem:v1+s20+$0x0] =	vst.idx.add.f32.msk $0xffff, v0  }
0x65: {  	v1 =	vld [tilespmem:$0x90];
	_ =	sdelay $0x7  }
0x66: {  	[tilespmem:v1+s20+$0x0] =	vst.idx.add.f32.msk $0xffff, v0  }
0x67: {  	v1 =	vld [tilespmem:$0xA0];
	_ =	sdelay $0x7  }
0x68: {  	[tilespmem:v1+s20+$0x0] =	vst.idx.add.f32.msk $0xffff, v0  }
0x69: {  	v1 =	vld [tilespmem:$0xB0];
	_ =	sdelay $0x7  }
0x6a: {  	[tilespmem:v1+s20+$0x0] =	vst.idx.add.f32.msk $0xffff, v0  }
0x6b: {  	v1 =	vld [tilespmem:$0xC0];
	_ =	sdelay $0x7  }
0x6c: {  	[tilespmem:v1+s20+$0x0] =	vst.idx.add.f32.msk $0xffff, v0  }
0x6d: {  	v1 =	vld [tilespmem:$0xD0];
	_ =	sdelay $0x7  }
0x6e: {  	[tilespmem:v1+s20+$0x0] =	vst.idx.add.f32.msk $0xffff, v0  }
0x6f: {  	v1 =	vld [tilespmem:$0xE0];
	_ =	sdelay $0x7  }
0x70: {  	[tilespmem:v1+s20+$0x0] =	vst.idx.add.f32.msk $0xffff, v0  }
0x71: {  	v1 =	vld [tilespmem:$0xF0];
	_ =	sdelay $0x7  }
0x72: {  	[tilespmem:v1+s20+$0x0] =	vst.idx.add.f32.msk $0xffff, v0  }
0x73: {  	_ =	swait.ge [sflag:s25], $0x4000  }
0x74: {  	[sflag:s25] =	ssyncset.done $0x0  }
0x75: {  	[sflag:s25] =	ssyncadd.s32 $0xFFFFC000  }
0x76: {  	[spmem:s2] =	stream.indirect.scatter.add.f32 [tilespmem:s22], [sflag:$0x3], $0x80, s21, s21, $0xb8;
	[tilespmem:$0x1EA00] =	vst v63  }
0x77: {  	_ =	swait.ge [sflag:s19], $0x4000  }
0x78: {  	[sflag:s19] =	ssyncset.done $0x0  }
0x79: {  	[sflag:s19] =	ssyncadd.s32 $0xFFFFC000  }
0x7a: {  	[tilespmem:s4], [sflag:$0x3] =	stream.linear.gather [hbm4b:s17+s4], $0x100, $0x38;
	[tilespmem:$0x1EA00] =	vst v63  }
0x7b: {  	_ =	swait.ge [sflag:s19], $0x100  }
0x7c: {  	[sflag:s19] =	ssyncset.done $0x0  }
0x7d: {  	[sflag:s19] =	ssyncadd.s32 $0xFFFFFF00  }
0x7e: {  	[tilespmem:s22], [sflag:$0x1] =	stream.indirect.gather [hbm4b:s1+s21], $0x80, s4, s21, $0xb8;
	[tilespmem:$0x1EA00] =	vst v63  }
0x7f: {  	v1 =	vld [tilespmem:$0x180];
	_ =	sdelay $0x7  }
0x80: {  	[tilespmem:v1+s20+$0x0] =	vst.idx.add.f32.msk $0xffff, v0  }
0x81: {  	v1 =	vld [tilespmem:$0x190];
	_ =	sdelay $0x7  }
0x82: {  	[tilespmem:v1+s20+$0x0] =	vst.idx.add.f32.msk $0xffff, v0  }
0x83: {  	v1 =	vld [tilespmem:$0x1A0];
	_ =	sdelay $0x7  }
0x84: {  	[tilespmem:v1+s20+$0x0] =	vst.idx.add.f32.msk $0xffff, v0  }
0x85: {  	v1 =	vld [tilespmem:$0x1B0];
	_ =	sdelay $0x7  }
0x86: {  	[tilespmem:v1+s20+$0x0] =	vst.idx.add.f32.msk $0xffff, v0  }
0x87: {  	v1 =	vld [tilespmem:$0x1C0];
	_ =	sdelay $0x7  }
0x88: {  	[tilespmem:v1+s20+$0x0] =	vst.idx.add.f32.msk $0xffff, v0  }
0x89: {  	v1 =	vld [tilespmem:$0x1D0];
	_ =	sdelay $0x7  }
0x8a: {  	[tilespmem:v1+s20+$0x0] =	vst.idx.add.f32.msk $0xffff, v0  }
0x8b: {  	v1 =	vld [tilespmem:$0x1E0];
	_ =	sdelay $0x7  }
0x8c: {  	[tilespmem:v1+s20+$0x0] =	vst.idx.add.f32.msk $0xffff, v0  }
0x8d: {  	v1 =	vld [tilespmem:$0x1F0];
	_ =	sdelay $0x7  }
0x8e: {  	[tilespmem:v1+s20+$0x0] =	vst.idx.add.f32.msk $0xffff, v0  }
0x8f: {  	_ =	swait.ge [sflag:s26], $0x4000  }
0x90: {  	[sflag:s26] =	ssyncset.done $0x0  }
0x91: {  	[sflag:s26] =	ssyncadd.s32 $0xFFFFC000  }
0x92: {  	[spmem:s2] =	stream.indirect.scatter.add.f32 [tilespmem:s24], [sflag:$0x3], $0x80, s28, s21, $0xb8;
	[tilespmem:$0x1EA00] =	vst v63  }
0x93: {  	_ =	swait.ge [sflag:s19], $0x4000  }
0x94: {  	[sflag:s19] =	ssyncset.done $0x0  }
0x95: {  	[sflag:s19] =	ssyncadd.s32 $0xFFFFC000  }
0x96: {  	_ =	swait.ge [sflag:s25], $0x4000  }
0x97: {  	[sflag:s25] =	ssyncset.done $0x0  }
0x98: {  	s0 =	simm.s32 @!p0 $0x0;
	s30 =	simm.s32 @!p0 $0x3;
	[sflag:s25] =	ssyncadd.s32 $0xFFFFC000  }
0x99: {  	[tilespmem:s0], [sflag:$0x3] =	stream.linear.gather @!p0 [hbm4b:s10+s0], $0x100, $0x38;
	[tilespmem:$0x1EA00] =	vst v63  }
0x9a: {  	_ =	swait.ge @!p0 [sflag:s30], $0x100  }
0x9b: {  	[sflag:s30] =	ssyncset.done @!p0 $0x0  }
0x9c: {  	s31 =	simm.s32 @!p0 $0x80;
	s3 =	simm.s32 @!p0 $0x200;
	[sflag:s30] =	ssyncadd.s32 @!p0 $0xFFFFFF00  }
0x9d: {  	[tilespmem:s3], [sflag:$0x1] =	stream.indirect.gather @!p0 [hbm4b:s1+s31], $0x80, s0, s31, $0xb8;
	[tilespmem:$0x1EA00] =	vst v63  }
0x9e: {  	s0 =	simm.s32 @!p0 $0x1  }
0x9f: {  	_ =	swait.ge @!p0 [sflag:s0], $0x4000  }
0xa0: {  	[sflag:s0] =	ssyncset.done @!p0 $0x0  }
0xa1: {  	[sflag:s0] =	ssyncadd.s32 @!p0 $0xFFFFC000  }
0xa2: {  	v1 =	vld @!p0 [tilespmem:$0x80];
	_ =	sdelay $0x6  }
0xa3: {  	v2 =	vimm.f32 @!p0 $1.000000000e+00;
	s0 =	simm.s32 @!p0 $0x8200  }
0xa4: {  	[tilespmem:v1+s0+$0x0] =	vst.idx.add.f32.msk @!p0 $0xffff, v2  }
0xa5: {  	v1 =	vld @!p0 [tilespmem:$0x90];
	_ =	sdelay $0x7  }
0xa6: {  	[tilespmem:v1+s0+$0x0] =	vst.idx.add.f32.msk @!p0 $0xffff, v2  }
0xa7: {  	v1 =	vld @!p0 [tilespmem:$0xA0];
	_ =	sdelay $0x7  }
0xa8: {  	[tilespmem:v1+s0+$0x0] =	vst.idx.add.f32.msk @!p0 $0xffff, v2  }
0xa9: {  	v1 =	vld @!p0 [tilespmem:$0xB0];
	_ =	sdelay $0x7  }
0xaa: {  	[tilespmem:v1+s0+$0x0] =	vst.idx.add.f32.msk @!p0 $0xffff, v2  }
0xab: {  	v1 =	vld @!p0 [tilespmem:$0xC0];
	_ =	sdelay $0x7  }
0xac: {  	[tilespmem:v1+s0+$0x0] =	vst.idx.add.f32.msk @!p0 $0xffff, v2  }
0xad: {  	v1 =	vld @!p0 [tilespmem:$0xD0];
	_ =	sdelay $0x7  }
0xae: {  	[tilespmem:v1+s0+$0x0] =	vst.idx.add.f32.msk @!p0 $0xffff, v2  }
0xaf: {  	v1 =	vld @!p0 [tilespmem:$0xE0];
	_ =	sdelay $0x7  }
0xb0: {  	[tilespmem:v1+s0+$0x0] =	vst.idx.add.f32.msk @!p0 $0xffff, v2  }
0xb1: {  	v1 =	vld @!p0 [tilespmem:$0xF0];
	_ =	sdelay $0x7  }
0xb2: {  	[tilespmem:v1+s0+$0x0] =	vst.idx.add.f32.msk @!p0 $0xffff, v2  }
0xb3: {  	[spmem:s2] =	stream.indirect.scatter.add.f32 @!p0 [tilespmem:s3], [sflag:$0x3], $0x80, s31, s31, $0xb8;
	[tilespmem:$0x1EA00] =	vst v63  }
0xb4: {  	_ =	swait.ge @!p0 [sflag:s30], $0x4000  }
0xb5: {  	[sflag:s30] =	ssyncset.done @!p0 $0x0  }
0xb6: {  	[sflag:s30] =	ssyncadd.s32 @!p0 $0xFFFFC000  }
0xb7: {  	[bflag:$0x0] =	sbarrier.arrive $0xFFFF  }
0xb8: {  	[hbm:s12], [sflag:s8] =	dma.local [spmem:s18], $0x2800  }
0xb9: {  	s29 =	sadd.s32 $0x1, s29;
	_ =	swait.ge [sflag:s19], $0x2800  }
0xba: {  	p1 =	sne.s32 s29, s15;
	[sflag:s19] =	ssyncset.done $0x0  }
.Ltmp1:
0xbb: {  	[sflag:s19] =	ssyncadd.s32 $0xFFFFD800;
	(pc) =	sbr.rel @p1 .LBB2_1-.Ltmp1, $4  }
0xbc: {  	[hbm4b:s13+s4] =	stream.linear.scatter [tilespmem:s20], [sflag:$0x3], $0x2800, $0x38;
	[tilespmem:$0x1EA00] =	vst v63  }
0xbd: {  	_ =	swait.ge [sflag:s19], $0x2800  }
0xbe: {  	[sflag:s19] =	ssyncset.done $0x0  }
0xbf: {  	[sflag:s19] =	ssyncadd.s32 $0xFFFFD800  }
0xc0: {  	_ =	sfence.sel $0x180000  }
0xc1: {  	[bflag:$0x0] =	sbarrier.arrive $0xFFFF  }
0xc2: {  	_ =	strace $0x90000047  }
0xc3: {  	s0 =	stileid.u32;
	[bflag:$0x2] =	sbarrier.arrive $0xFFFF  }
0xc4: {  	p0 =	sne.s32 s0, $0x0;
	s0 =	rddreg [dreg:$0x3]  }
0xc5: {  	s0 =	sadd.s32 @!p0 $0x100000, s0  }
0xc6: {  	[sflag:s0] =	ssyncadd.tile.s32 @!p0 $0x1;
	_ =	shalt  }
.Lfunc_end2:
_tile_overlayer_lowered:
.L_overlay_start_2:
0xc7: {  	(tag) =	ssettag $0x2  }
0xc8: {  	s0 =	rddreg [dreg:$0x0];
	s2 =	stileid.u32  }
0xc9: {  	s1 =	rddreg [dreg:$0x1];
	p0 =	sne.s32 s2, $0x0  }
0xca: {  	s3 =	rddreg [dreg:$0x2];
	[bflag:$0x3] =	sbarrier.arrive $0xFFFF;
	s2 =	simm.s32 @!p0 $0x1C03  }
0xcb: {  	[timem:s3], [sflag:s2] =	dma.local @!p0 [hbm:s0], s1  }
0xcc: {  	s0 =	simm.s32 @!p0 $0x3  }
0xcd: {  	_ =	swait.ge @!p0 [sflag:s0], s1  }
0xce: {  	s1 =	ssub.s32 @!p0 $0x0, s1;
	[sflag:s0] =	ssyncset.done @!p0 $0x0  }
0xcf: {  	[sflag:s0] =	ssyncadd.s32 @!p0 s1  }
0xd0: {  	[bflag:$0x3] =	sbarrier.arrive $0xFFFF  }
0xd1: {  	_ =	shalt  }

</sc_bundles>
